<compile_context>
chip_gen: v7x
topology: tpu7x:2x2x1
jax: 0.10.2.dev20260603
libtpu: 0.0.44.dev20260713+nightly
codegen_flags: <defaults>
</compile_context>

<pallas_src>
import functools

import jax
import jax.numpy as jnp
from jax import lax
from jax.experimental import pallas as pl
from jax.experimental.pallas import tpu as pltpu
from jax.experimental.pallas import tpu_sc as plsc

NODE = 512
FEAT = 512
PAIRS = 16
NWORK = 32
HALF = NODE // 2
CHUNK = 64
NCH = HALF // CHUNK
ABLK = NODE + 8
SCALE = 1.0 / (512.0 ** 0.5)


@functools.lru_cache(maxsize=None)
def _sc_gather_fn(total):
    info = plsc.get_sparse_core_info()
    nc = info.num_cores

    @functools.partial(
        pl.kernel,
        mesh=plsc.VectorSubcoreMesh(core_axis_name="c", subcore_axis_name="s"),
        out_type=jax.ShapeDtypeStruct((PAIRS * NODE, FEAT), jnp.float32),
        scratch_types=[
            pltpu.VMEM((2 * NWORK, 16), jnp.int32),
            pltpu.VMEM((CHUNK, FEAT), jnp.float32),
            pltpu.VMEM((CHUNK, FEAT), jnp.float32),
            pltpu.VMEM((CHUNK, FEAT), jnp.float32),
            pltpu.SemaphoreType.DMA,
            pltpu.SemaphoreType.DMA,
            pltpu.SemaphoreType.DMA,
        ],
    )
    def gather(features_hbm, meta_hbm, out_hbm, meta_v,
               buf0, buf1, buf2, s0, s1, s2):
        wid = lax.axis_index("s") * nc + lax.axis_index("c")
        pltpu.sync_copy(meta_hbm, meta_v)
        lane = lax.iota(jnp.int32, 16)
        start_w = meta_v[wid][0]
        cnt_w = meta_v[wid + NWORK][0]
        nch = (cnt_w + (CHUNK - 1)) // CHUNK

        bufs = (buf0, buf1, buf2)
        sems = (s0, s1, s2)
        depth = len(bufs)

        def make_issue(j):
            def _():
                for t in range(CHUNK // 16):
                    ridx = jnp.minimum(
                        start_w + (j * CHUNK + t * 16) + lane, total - 1)
                    pltpu.async_copy(
                        features_hbm.at[ridx],
                        bufs[j % depth].at[pl.ds(t * 16, 16)],
                        sems[j % depth])
            return _

        def make_retire(j):
            def _():
                pltpu.make_async_copy(
                    features_hbm.at[pl.ds(0, CHUNK)],
                    bufs[j % depth], sems[j % depth]).wait()
                pltpu.sync_copy(
                    bufs[j % depth],
                    out_hbm.at[pl.ds(wid * HALF + j * CHUNK, CHUNK)])
            return _

        lead = depth - 1
        for j in range(NCH):
            pl.when(j < nch)(make_issue(j))
            if j >= lead:
                pl.when(j - lead < nch)(make_retire(j - lead))
        for j in range(max(NCH - lead, 0), NCH):
            pl.when(j < nch)(make_retire(j))

    return gather


def _tc_body(meta_ref, src_ref, feat_ref, out_ref, rbuf, sem):
    b = pl.program_id(0)
    s = meta_ref[b, 0]
    r = meta_ref[b, 1]

    def issue(i, slot):
        astart = pl.multiple_of(meta_ref[i, 2], 8)
        pltpu.make_async_copy(
            feat_ref.at[pl.ds(astart, ABLK)],
            rbuf.at[slot, pl.ds(0, ABLK)], sem.at[slot]).start()

    def wait(slot):
        pltpu.make_async_copy(
            feat_ref.at[pl.ds(0, ABLK)],
            rbuf.at[slot, pl.ds(0, ABLK)], sem.at[slot]).wait()

    @pl.when(b == 0)
    def _():
        issue(0, 0)

    @pl.when(b + 1 < PAIRS)
    def _():
        issue(b + 1, (b + 1) % 2)

    wait(b % 2)
    delta = meta_ref[b, 3]
    ld = rbuf[b % 2]
    ref_blk = pltpu.roll(ld, ABLK - delta, axis=0)[:NODE]

    acc = lax.dot_general(
        src_ref[0], ref_blk,
        (((1,), (1,)), ((), ())),
        preferred_element_type=jnp.float32,
    )
    rows = lax.broadcasted_iota(jnp.int32, (NODE, 1), 0)
    cols = lax.broadcasted_iota(jnp.int32, (1, NODE), 1)
    rowm = jnp.where(rows < s, SCALE, 0.0)
    colm = jnp.where(cols < r, 1.0, 0.0)
    out_ref[0] = acc * rowm * colm


_tc_scores = pl.pallas_call(
    _tc_body,
    grid=(PAIRS,),
    in_specs=[
        pl.BlockSpec(memory_space=pltpu.SMEM),
        pl.BlockSpec((1, NODE, FEAT), lambda b: (b, 0, 0)),
        pl.BlockSpec(memory_space=pl.ANY),
    ],
    out_specs=pl.BlockSpec((1, NODE, NODE), lambda b: (b, 0, 0)),
    out_shape=jax.ShapeDtypeStruct((PAIRS, NODE, NODE), jnp.float32),
    scratch_shapes=[
        pltpu.VMEM((2, ABLK, FEAT), jnp.float32),
        pltpu.SemaphoreType.DMA((2,)),
    ],
)


def kernel(features, src_ref_counts):
    total = features.shape[0]
    counts = jnp.asarray(src_ref_counts).astype(jnp.int32)
    s = counts[:, 0]
    r = counts[:, 1]
    tot = s + r
    starts = jnp.cumsum(tot) - tot

    halves = jnp.tile(jnp.asarray([0, HALF], jnp.int32), PAIRS)
    w_start = jnp.repeat(starts, 2) + halves
    half_cnt = jnp.clip(
        jnp.repeat(jnp.minimum(s, NODE), 2) - halves, 0, HALF)
    sc_meta = jnp.broadcast_to(
        jnp.concatenate([w_start, half_cnt])[:, None],
        (2 * NWORK, 16)).astype(jnp.int32)

    rstart = starts + s
    astart = jnp.clip((rstart // 8) * 8, 0, total - ABLK)
    delta = rstart - astart
    tc_meta = jnp.stack([s, r, astart, delta], axis=1)

    gathered = _sc_gather_fn(total)(features, sc_meta)
    blocks = gathered.reshape(PAIRS, NODE, FEAT)
    return _tc_scores(tc_meta, blocks, features)

# --- scband reference (transcript-rebuilt; emitter-appended) ---
"""Pipeline reference for scband-pr-net-51831665328281 (READ-ONLY COPY).

The authoritative reference and input builder live on the scoring server;
editing this copy changes nothing except your own understanding.
"""

import jax, jax.numpy as jnp
import numpy as np

NODE_NUM = 512
FEAT_DIM = 512
NUM_PAIRS = 16


def _make_counts():
    # deterministic ragged src/ref object counts per scene pair
    # src counts 200..350 (all < node_num -> zero padding path)
    # ref counts 400..700 (some > node_num -> truncation/sampling path)
    src = 200 + np.arange(NUM_PAIRS) * 10
    ref = 400 + np.arange(NUM_PAIRS) * 20
    return np.stack([src, ref], axis=1).astype(np.int64)


def setup_inputs(seed: int = 0) -> dict:
    key = jax.random.key(seed)
    counts = _make_counts()
    total = int(counts.sum())  # 13200
    features = jax.random.normal(key, (total, FEAT_DIM), dtype=jnp.float32)
    return {"features": features, "src_ref_counts": jnp.asarray(counts)}


def _zero_padding_and_sampling(scene, node_num):
    # scene: [n, d]. Faithful to PR_Net.zero_padding_and_sampling, except the
    # random np.random.choice subsampling is made deterministic (take the first
    # node_num objects, i.e. a sorted index subset) for reproducibility.
    n = scene.shape[0]
    if n > node_num:
        return scene[:node_num]
    elif n < node_num:
        pad = jnp.zeros((node_num - n, scene.shape[1]), dtype=scene.dtype)
        return jnp.concatenate([scene, pad], axis=0)
    return scene


def _reshape_features(features, counts):
    # Faithful jax translation of PR_Net.reshape_features: walk the flat
    # [num_objects, d] tensor, split each contiguous scene-pair segment into
    # src / ref ragged scenes, then pad/truncate each to node_num. Each scene
    # is materialized as a fixed-size gather of node_num rows starting at its
    # segment offset, with rows past the ragged count zeroed (equivalent to
    # zero-padding when count < node_num and to taking the first node_num
    # objects when count > node_num).
    s = counts[:, 0]
    r = counts[:, 1]
    tot = s + r
    starts = jnp.cumsum(tot) - tot  # [B] segment offsets
    ar = jnp.arange(NODE_NUM)
    src_idx = starts[:, None] + ar[None, :]  # [B, node_num]
    src_mask = (ar[None, :] < s[:, None]).astype(features.dtype)
    src = features[src_idx] * src_mask[:, :, None]  # [B, node_num, d]
    ref_idx = starts[:, None] + s[:, None] + ar[None, :]
    ref_mask = (ar[None, :] < r[:, None]).astype(features.dtype)
    ref = features[ref_idx] * ref_mask[:, :, None]  # [B, node_num, d]
    return src, ref


def reference(features, src_ref_counts):
    counts = jnp.asarray(src_ref_counts)
    src_features, ref_features = _reshape_features(features, counts)
    # graph_encoder pair-scoring head (SG_one_channel surrogate): cross-scene
    # node-to-node similarity logits per pair.
    scores = jnp.einsum('bnd,bmd->bnm', src_features, ref_features)
    scores = scores / jnp.sqrt(jnp.asarray(FEAT_DIM, dtype=jnp.float32))
    return scores  # [B, node_num, node_num]

if __name__ == "__main__":
    import jax
    _d = setup_inputs()
    print(jax.jit(kernel)(*tuple(_d.values())))

</pallas_src>

<mosaic_0001>
#map = affine_map<(d0, d1) -> (0, 0)>
module attributes {stable_mosaic.version = 14 : i64} {
  func.func @gather(%arg0: i32, %arg1: i32, %arg2: memref<13200x512xf32, #tpu.memory_space<hbm>>, %arg3: memref<64x16xi32, #tpu.memory_space<hbm>>, %arg4: memref<8192x512xf32, #tpu.memory_space<hbm>>, %arg5: memref<64x16xi32, #tpu.memory_space<vmem>>, %arg6: memref<64x512xf32, #tpu.memory_space<vmem>>, %arg7: memref<64x512xf32, #tpu.memory_space<vmem>>, %arg8: memref<64x512xf32, #tpu.memory_space<vmem>>, %arg9: memref<!tpu.dma_semaphore, #tpu.memory_space<semaphore_mem>>, %arg10: memref<!tpu.dma_semaphore, #tpu.memory_space<semaphore_mem>>, %arg11: memref<!tpu.dma_semaphore, #tpu.memory_space<semaphore_mem>>) attributes {dimension_semantics = [#tpu.dimension_semantics<core_parallel>, #tpu.dimension_semantics<subcore_parallel>], iteration_bounds = array<i64: 2, 16>, scalar_prefetch = 0 : i64, scratch_operands = 7 : i64, tpu.core_type = #tpu.core_type<sc_vector_subcore>, window_params = [{transform_indices = #map}, {transform_indices = #map}, {transform_indices = #map}]} {
    %mul3A = arith.constant 2 : i32
    %mul3A_0 = arith.muli %arg1, %mul3A : i32
    %add3A = arith.addi %mul3A_0, %arg0 : i32
    "tpu.region"() ({
      %run_scoped3A = tpu.sem_alloc : memref<!tpu.dma_semaphore, #tpu.memory_space<semaphore_mem>>
      tpu.enqueue_dma source(%arg3 : memref<64x16xi32, #tpu.memory_space<hbm>>) target(%arg5 : memref<64x16xi32, #tpu.memory_space<vmem>>) target_semaphore(%run_scoped3A : memref<!tpu.dma_semaphore, #tpu.memory_space<semaphore_mem>>)
      tpu.wait_dma2 semaphore(%run_scoped3A : memref<!tpu.dma_semaphore, #tpu.memory_space<semaphore_mem>>) src(%arg3 : memref<64x16xi32, #tpu.memory_space<hbm>>) dst(%arg5 : memref<64x16xi32, #tpu.memory_space<vmem>>)
      tpu.yield
    }) : () -> ()
    %iota3A = tpu.iota {dimensions = array<i32: 0>} : vector<16xi32>
    %get3A = arith.index_cast %add3A : i32 to index
    %get3A_1 = arith.constant 0 : index
    %get3A_2 = tpu.vector_load %arg5[%get3A, %get3A_1] {strides = array<i32>} : memref<64x16xi32, #tpu.memory_space<vmem>>, vector<1x16xi32>,
    %get3A_3 = vector.shape_cast %get3A_2 : vector<1x16xi32> to vector<16xi32>
    %slice3A = vector.extract_strided_slice %get3A_3 {offsets = [0], sizes = [1], strides = [1]} : vector<16xi32> to vector<1xi32>
    %squeeze3A = vector.extract %slice3A[0] : i32 from vector<1xi32>
    %add3A_4 = arith.constant 32 : i32
    %add3A_5 = arith.addi %add3A, %add3A_4 : i32
    %get3A_6 = arith.index_cast %add3A_5 : i32 to index
    %get3A_7 = arith.constant 0 : index
    %get3A_8 = tpu.vector_load %arg5[%get3A_6, %get3A_7] {strides = array<i32>} : memref<64x16xi32, #tpu.memory_space<vmem>>, vector<1x16xi32>,
    %get3A_9 = vector.shape_cast %get3A_8 : vector<1x16xi32> to vector<16xi32>
    %slice3A_10 = vector.extract_strided_slice %get3A_9 {offsets = [0], sizes = [1], strides = [1]} : vector<16xi32> to vector<1xi32>
    %squeeze3A_11 = vector.extract %slice3A_10[0] : i32 from vector<1xi32>
    %add3A_12 = arith.constant 63 : i32
    %add3A_13 = arith.addi %squeeze3A_11, %add3A_12 : i32
    %jit3A = arith.constant 64 : i32
    %div3A = arith.divsi %add3A_13, %jit3A : i32
    %sign3A = arith.constant 0 : i32
    %sign3A_14 = arith.cmpi sgt, %add3A_13, %sign3A : i32
    %sign3A_15 = arith.extui %sign3A_14 : i1 to i32
    %sign3A_16 = arith.constant 0 : i32
    %sign3A_17 = arith.cmpi slt, %add3A_13, %sign3A_16 : i32
    %sign3A_18 = arith.extui %sign3A_17 : i1 to i32
    %sign3A_19 = arith.subi %sign3A_15, %sign3A_18 : i32
    %sign3A_20 = arith.constant 0 : i32
    %sign3A_21 = arith.cmpi sgt, %jit3A, %sign3A_20 : i32
    %sign3A_22 = arith.extui %sign3A_21 : i1 to i32
    %sign3A_23 = arith.constant 0 : i32
    %sign3A_24 = arith.cmpi slt, %jit3A, %sign3A_23 : i32
    %sign3A_25 = arith.extui %sign3A_24 : i1 to i32
    %sign3A_26 = arith.subi %sign3A_22, %sign3A_25 : i32
    %ne3A = arith.cmpi ne, %sign3A_19, %sign3A_26 : i32
    %rem3A = arith.remsi %add3A_13, %jit3A : i32
    %ne3A_27 = arith.constant 0 : i32
    %ne3A_28 = arith.cmpi ne, %rem3A, %ne3A_27 : i32
    %and3A = arith.andi %ne3A, %ne3A_28 : i1
    %sub3A = arith.constant 1 : i32
    %sub3A_29 = arith.subi %div3A, %sub3A : i32
    %select_n3A = arith.select %and3A, %sub3A_29, %div3A : i32
    %gt3A = arith.constant 0 : i32
    %gt3A_30 = arith.cmpi sgt, %select_n3A, %gt3A : i32
    %convert_element_type3A = arith.extui %gt3A_30 : i1 to i32
    %cond3A = arith.constant 0 : i32
    %cond3A_31 = arith.cmpi ne, %convert_element_type3A, %cond3A : i32
    scf.if %cond3A_31 {
      %add3A_67 = arith.constant 0 : i32
      %add3A_68 = arith.addi %squeeze3A, %add3A_67 : i32
      %add3A_69 = vector.broadcast %add3A_68 : i32 to vector<16xi32>
      %add3A_70 = arith.addi %add3A_69, %iota3A : vector<16xi32>
      %min3A = arith.constant 13199 : i32
      %min3A_71 = vector.broadcast %min3A : i32 to vector<16xi32>
      %min3A_72 = arith.minsi %add3A_70, %min3A_71 : vector<16xi32>
      %dma_start3A = arith.constant 0 : i32
      %dma_start3A_73 = arith.constant 0 : i32
      %dma_start3A_74 = tpu.memref_slice %arg6[%dma_start3A, %dma_start3A_73] : memref<64x512xf32, #tpu.memory_space<vmem>> -> memref<16x512xf32, #tpu.memory_space<vmem>>
      %dma_start3A_75 = arith.constant 0 : i32
      %dma_start3A_76 = arith.constant 0 : i32
      %dma_start3A_77 = tpu.memref_slice %arg2[%dma_start3A_75, %dma_start3A_76] : memref<13200x512xf32, #tpu.memory_space<hbm>> -> memref<13200x512xf32, #tpu.memory_space<hbm>>
      tpu.enqueue_indirect_dma source(%dma_start3A_77 : memref<13200x512xf32, #tpu.memory_space<hbm>>) target(%dma_start3A_74 : memref<16x512xf32, #tpu.memory_space<vmem>>) offsets(%min3A_72 : vector<16xi32>) semaphore(%arg9 : memref<!tpu.dma_semaphore, #tpu.memory_space<semaphore_mem>>)
      %add3A_78 = arith.constant 16 : i32
      %add3A_79 = arith.addi %squeeze3A, %add3A_78 : i32
      %add3A_80 = vector.broadcast %add3A_79 : i32 to vector<16xi32>
      %add3A_81 = arith.addi %add3A_80, %iota3A : vector<16xi32>
      %min3A_82 = arith.constant 13199 : i32
      %min3A_83 = vector.broadcast %min3A_82 : i32 to vector<16xi32>
      %min3A_84 = arith.minsi %add3A_81, %min3A_83 : vector<16xi32>
      %dma_start3A_85 = arith.constant 16 : i32
      %dma_start3A_86 = arith.constant 0 : i32
      %dma_start3A_87 = tpu.memref_slice %arg6[%dma_start3A_85, %dma_start3A_86] : memref<64x512xf32, #tpu.memory_space<vmem>> -> memref<16x512xf32, #tpu.memory_space<vmem>>
      %dma_start3A_88 = arith.constant 0 : i32
      %dma_start3A_89 = arith.constant 0 : i32
      %dma_start3A_90 = tpu.memref_slice %arg2[%dma_start3A_88, %dma_start3A_89] : memref<13200x512xf32, #tpu.memory_space<hbm>> -> memref<13200x512xf32, #tpu.memory_space<hbm>>
      tpu.enqueue_indirect_dma source(%dma_start3A_90 : memref<13200x512xf32, #tpu.memory_space<hbm>>) target(%dma_start3A_87 : memref<16x512xf32, #tpu.memory_space<vmem>>) offsets(%min3A_84 : vector<16xi32>) semaphore(%arg9 : memref<!tpu.dma_semaphore, #tpu.memory_space<semaphore_mem>>)
      %add3A_91 = arith.constant 32 : i32
      %add3A_92 = arith.addi %squeeze3A, %add3A_91 : i32
      %add3A_93 = vector.broadcast %add3A_92 : i32 to vector<16xi32>
      %add3A_94 = arith.addi %add3A_93, %iota3A : vector<16xi32>
      %min3A_95 = arith.constant 13199 : i32
      %min3A_96 = vector.broadcast %min3A_95 : i32 to vector<16xi32>
      %min3A_97 = arith.minsi %add3A_94, %min3A_96 : vector<16xi32>
      %dma_start3A_98 = arith.constant 32 : i32
      %dma_start3A_99 = arith.constant 0 : i32
      %dma_start3A_100 = tpu.memref_slice %arg6[%dma_start3A_98, %dma_start3A_99] : memref<64x512xf32, #tpu.memory_space<vmem>> -> memref<16x512xf32, #tpu.memory_space<vmem>>
      %dma_start3A_101 = arith.constant 0 : i32
      %dma_start3A_102 = arith.constant 0 : i32
      %dma_start3A_103 = tpu.memref_slice %arg2[%dma_start3A_101, %dma_start3A_102] : memref<13200x512xf32, #tpu.memory_space<hbm>> -> memref<13200x512xf32, #tpu.memory_space<hbm>>
      tpu.enqueue_indirect_dma source(%dma_start3A_103 : memref<13200x512xf32, #tpu.memory_space<hbm>>) target(%dma_start3A_100 : memref<16x512xf32, #tpu.memory_space<vmem>>) offsets(%min3A_97 : vector<16xi32>) semaphore(%arg9 : memref<!tpu.dma_semaphore, #tpu.memory_space<semaphore_mem>>)
      %add3A_104 = arith.constant 48 : i32
      %add3A_105 = arith.addi %squeeze3A, %add3A_104 : i32
      %add3A_106 = vector.broadcast %add3A_105 : i32 to vector<16xi32>
      %add3A_107 = arith.addi %add3A_106, %iota3A : vector<16xi32>
      %min3A_108 = arith.constant 13199 : i32
      %min3A_109 = vector.broadcast %min3A_108 : i32 to vector<16xi32>
      %min3A_110 = arith.minsi %add3A_107, %min3A_109 : vector<16xi32>
      %dma_start3A_111 = arith.constant 48 : i32
      %dma_start3A_112 = arith.constant 0 : i32
      %dma_start3A_113 = tpu.memref_slice %arg6[%dma_start3A_111, %dma_start3A_112] : memref<64x512xf32, #tpu.memory_space<vmem>> -> memref<16x512xf32, #tpu.memory_space<vmem>>
      %dma_start3A_114 = arith.constant 0 : i32
      %dma_start3A_115 = arith.constant 0 : i32
      %dma_start3A_116 = tpu.memref_slice %arg2[%dma_start3A_114, %dma_start3A_115] : memref<13200x512xf32, #tpu.memory_space<hbm>> -> memref<13200x512xf32, #tpu.memory_space<hbm>>
      tpu.enqueue_indirect_dma source(%dma_start3A_116 : memref<13200x512xf32, #tpu.memory_space<hbm>>) target(%dma_start3A_113 : memref<16x512xf32, #tpu.memory_space<vmem>>) offsets(%min3A_110 : vector<16xi32>) semaphore(%arg9 : memref<!tpu.dma_semaphore, #tpu.memory_space<semaphore_mem>>)
    } else {
    }
    %gt3A_32 = arith.constant 1 : i32
    %gt3A_33 = arith.cmpi sgt, %select_n3A, %gt3A_32 : i32
    %convert_element_type3A_34 = arith.extui %gt3A_33 : i1 to i32
    %cond3A_35 = arith.constant 0 : i32
    %cond3A_36 = arith.cmpi ne, %convert_element_type3A_34, %cond3A_35 : i32
    scf.if %cond3A_36 {
      %add3A_67 = arith.constant 64 : i32
      %add3A_68 = arith.addi %squeeze3A, %add3A_67 : i32
      %add3A_69 = vector.broadcast %add3A_68 : i32 to vector<16xi32>
      %add3A_70 = arith.addi %add3A_69, %iota3A : vector<16xi32>
      %min3A = arith.constant 13199 : i32
      %min3A_71 = vector.broadcast %min3A : i32 to vector<16xi32>
      %min3A_72 = arith.minsi %add3A_70, %min3A_71 : vector<16xi32>
      %dma_start3A = arith.constant 0 : i32
      %dma_start3A_73 = arith.constant 0 : i32
      %dma_start3A_74 = tpu.memref_slice %arg7[%dma_start3A, %dma_start3A_73] : memref<64x512xf32, #tpu.memory_space<vmem>> -> memref<16x512xf32, #tpu.memory_space<vmem>>
      %dma_start3A_75 = arith.constant 0 : i32
      %dma_start3A_76 = arith.constant 0 : i32
      %dma_start3A_77 = tpu.memref_slice %arg2[%dma_start3A_75, %dma_start3A_76] : memref<13200x512xf32, #tpu.memory_space<hbm>> -> memref<13200x512xf32, #tpu.memory_space<hbm>>
      tpu.enqueue_indirect_dma source(%dma_start3A_77 : memref<13200x512xf32, #tpu.memory_space<hbm>>) target(%dma_start3A_74 : memref<16x512xf32, #tpu.memory_space<vmem>>) offsets(%min3A_72 : vector<16xi32>) semaphore(%arg10 : memref<!tpu.dma_semaphore, #tpu.memory_space<semaphore_mem>>)
      %add3A_78 = arith.constant 80 : i32
      %add3A_79 = arith.addi %squeeze3A, %add3A_78 : i32
      %add3A_80 = vector.broadcast %add3A_79 : i32 to vector<16xi32>
      %add3A_81 = arith.addi %add3A_80, %iota3A : vector<16xi32>
      %min3A_82 = arith.constant 13199 : i32
      %min3A_83 = vector.broadcast %min3A_82 : i32 to vector<16xi32>
      %min3A_84 = arith.minsi %add3A_81, %min3A_83 : vector<16xi32>
      %dma_start3A_85 = arith.constant 16 : i32
      %dma_start3A_86 = arith.constant 0 : i32
      %dma_start3A_87 = tpu.memref_slice %arg7[%dma_start3A_85, %dma_start3A_86] : memref<64x512xf32, #tpu.memory_space<vmem>> -> memref<16x512xf32, #tpu.memory_space<vmem>>
      %dma_start3A_88 = arith.constant 0 : i32
      %dma_start3A_89 = arith.constant 0 : i32
      %dma_start3A_90 = tpu.memref_slice %arg2[%dma_start3A_88, %dma_start3A_89] : memref<13200x512xf32, #tpu.memory_space<hbm>> -> memref<13200x512xf32, #tpu.memory_space<hbm>>
      tpu.enqueue_indirect_dma source(%dma_start3A_90 : memref<13200x512xf32, #tpu.memory_space<hbm>>) target(%dma_start3A_87 : memref<16x512xf32, #tpu.memory_space<vmem>>) offsets(%min3A_84 : vector<16xi32>) semaphore(%arg10 : memref<!tpu.dma_semaphore, #tpu.memory_space<semaphore_mem>>)
      %add3A_91 = arith.constant 96 : i32
      %add3A_92 = arith.addi %squeeze3A, %add3A_91 : i32
      %add3A_93 = vector.broadcast %add3A_92 : i32 to vector<16xi32>
      %add3A_94 = arith.addi %add3A_93, %iota3A : vector<16xi32>
      %min3A_95 = arith.constant 13199 : i32
      %min3A_96 = vector.broadcast %min3A_95 : i32 to vector<16xi32>
      %min3A_97 = arith.minsi %add3A_94, %min3A_96 : vector<16xi32>
      %dma_start3A_98 = arith.constant 32 : i32
      %dma_start3A_99 = arith.constant 0 : i32
      %dma_start3A_100 = tpu.memref_slice %arg7[%dma_start3A_98, %dma_start3A_99] : memref<64x512xf32, #tpu.memory_space<vmem>> -> memref<16x512xf32, #tpu.memory_space<vmem>>
      %dma_start3A_101 = arith.constant 0 : i32
      %dma_start3A_102 = arith.constant 0 : i32
      %dma_start3A_103 = tpu.memref_slice %arg2[%dma_start3A_101, %dma_start3A_102] : memref<13200x512xf32, #tpu.memory_space<hbm>> -> memref<13200x512xf32, #tpu.memory_space<hbm>>
      tpu.enqueue_indirect_dma source(%dma_start3A_103 : memref<13200x512xf32, #tpu.memory_space<hbm>>) target(%dma_start3A_100 : memref<16x512xf32, #tpu.memory_space<vmem>>) offsets(%min3A_97 : vector<16xi32>) semaphore(%arg10 : memref<!tpu.dma_semaphore, #tpu.memory_space<semaphore_mem>>)
      %add3A_104 = arith.constant 112 : i32
      %add3A_105 = arith.addi %squeeze3A, %add3A_104 : i32
      %add3A_106 = vector.broadcast %add3A_105 : i32 to vector<16xi32>
      %add3A_107 = arith.addi %add3A_106, %iota3A : vector<16xi32>
      %min3A_108 = arith.constant 13199 : i32
      %min3A_109 = vector.broadcast %min3A_108 : i32 to vector<16xi32>
      %min3A_110 = arith.minsi %add3A_107, %min3A_109 : vector<16xi32>
      %dma_start3A_111 = arith.constant 48 : i32
      %dma_start3A_112 = arith.constant 0 : i32
      %dma_start3A_113 = tpu.memref_slice %arg7[%dma_start3A_111, %dma_start3A_112] : memref<64x512xf32, #tpu.memory_space<vmem>> -> memref<16x512xf32, #tpu.memory_space<vmem>>
      %dma_start3A_114 = arith.constant 0 : i32
      %dma_start3A_115 = arith.constant 0 : i32
      %dma_start3A_116 = tpu.memref_slice %arg2[%dma_start3A_114, %dma_start3A_115] : memref<13200x512xf32, #tpu.memory_space<hbm>> -> memref<13200x512xf32, #tpu.memory_space<hbm>>
      tpu.enqueue_indirect_dma source(%dma_start3A_116 : memref<13200x512xf32, #tpu.memory_space<hbm>>) target(%dma_start3A_113 : memref<16x512xf32, #tpu.memory_space<vmem>>) offsets(%min3A_110 : vector<16xi32>) semaphore(%arg10 : memref<!tpu.dma_semaphore, #tpu.memory_space<semaphore_mem>>)
    } else {
    }
    %gt3A_37 = arith.constant 2 : i32
    %gt3A_38 = arith.cmpi sgt, %select_n3A, %gt3A_37 : i32
    %convert_element_type3A_39 = arith.extui %gt3A_38 : i1 to i32
    %cond3A_40 = arith.constant 0 : i32
    %cond3A_41 = arith.cmpi ne, %convert_element_type3A_39, %cond3A_40 : i32
    scf.if %cond3A_41 {
      %add3A_67 = arith.constant 128 : i32
      %add3A_68 = arith.addi %squeeze3A, %add3A_67 : i32
      %add3A_69 = vector.broadcast %add3A_68 : i32 to vector<16xi32>
      %add3A_70 = arith.addi %add3A_69, %iota3A : vector<16xi32>
      %min3A = arith.constant 13199 : i32
      %min3A_71 = vector.broadcast %min3A : i32 to vector<16xi32>
      %min3A_72 = arith.minsi %add3A_70, %min3A_71 : vector<16xi32>
      %dma_start3A = arith.constant 0 : i32
      %dma_start3A_73 = arith.constant 0 : i32
      %dma_start3A_74 = tpu.memref_slice %arg8[%dma_start3A, %dma_start3A_73] : memref<64x512xf32, #tpu.memory_space<vmem>> -> memref<16x512xf32, #tpu.memory_space<vmem>>
      %dma_start3A_75 = arith.constant 0 : i32
      %dma_start3A_76 = arith.constant 0 : i32
      %dma_start3A_77 = tpu.memref_slice %arg2[%dma_start3A_75, %dma_start3A_76] : memref<13200x512xf32, #tpu.memory_space<hbm>> -> memref<13200x512xf32, #tpu.memory_space<hbm>>
      tpu.enqueue_indirect_dma source(%dma_start3A_77 : memref<13200x512xf32, #tpu.memory_space<hbm>>) target(%dma_start3A_74 : memref<16x512xf32, #tpu.memory_space<vmem>>) offsets(%min3A_72 : vector<16xi32>) semaphore(%arg11 : memref<!tpu.dma_semaphore, #tpu.memory_space<semaphore_mem>>)
      %add3A_78 = arith.constant 144 : i32
      %add3A_79 = arith.addi %squeeze3A, %add3A_78 : i32
      %add3A_80 = vector.broadcast %add3A_79 : i32 to vector<16xi32>
      %add3A_81 = arith.addi %add3A_80, %iota3A : vector<16xi32>
      %min3A_82 = arith.constant 13199 : i32
      %min3A_83 = vector.broadcast %min3A_82 : i32 to vector<16xi32>
      %min3A_84 = arith.minsi %add3A_81, %min3A_83 : vector<16xi32>
      %dma_start3A_85 = arith.constant 16 : i32
      %dma_start3A_86 = arith.constant 0 : i32
      %dma_start3A_87 = tpu.memref_slice %arg8[%dma_start3A_85, %dma_start3A_86] : memref<64x512xf32, #tpu.memory_space<vmem>> -> memref<16x512xf32, #tpu.memory_space<vmem>>
      %dma_start3A_88 = arith.constant 0 : i32
      %dma_start3A_89 = arith.constant 0 : i32
      %dma_start3A_90 = tpu.memref_slice %arg2[%dma_start3A_88, %dma_start3A_89] : memref<13200x512xf32, #tpu.memory_space<hbm>> -> memref<13200x512xf32, #tpu.memory_space<hbm>>
      tpu.enqueue_indirect_dma source(%dma_start3A_90 : memref<13200x512xf32, #tpu.memory_space<hbm>>) target(%dma_start3A_87 : memref<16x512xf32, #tpu.memory_space<vmem>>) offsets(%min3A_84 : vector<16xi32>) semaphore(%arg11 : memref<!tpu.dma_semaphore, #tpu.memory_space<semaphore_mem>>)
      %add3A_91 = arith.constant 160 : i32
      %add3A_92 = arith.addi %squeeze3A, %add3A_91 : i32
      %add3A_93 = vector.broadcast %add3A_92 : i32 to vector<16xi32>
      %add3A_94 = arith.addi %add3A_93, %iota3A : vector<16xi32>
      %min3A_95 = arith.constant 13199 : i32
      %min3A_96 = vector.broadcast %min3A_95 : i32 to vector<16xi32>
      %min3A_97 = arith.minsi %add3A_94, %min3A_96 : vector<16xi32>
      %dma_start3A_98 = arith.constant 32 : i32
      %dma_start3A_99 = arith.constant 0 : i32
      %dma_start3A_100 = tpu.memref_slice %arg8[%dma_start3A_98, %dma_start3A_99] : memref<64x512xf32, #tpu.memory_space<vmem>> -> memref<16x512xf32, #tpu.memory_space<vmem>>
      %dma_start3A_101 = arith.constant 0 : i32
      %dma_start3A_102 = arith.constant 0 : i32
      %dma_start3A_103 = tpu.memref_slice %arg2[%dma_start3A_101, %dma_start3A_102] : memref<13200x512xf32, #tpu.memory_space<hbm>> -> memref<13200x512xf32, #tpu.memory_space<hbm>>
      tpu.enqueue_indirect_dma source(%dma_start3A_103 : memref<13200x512xf32, #tpu.memory_space<hbm>>) target(%dma_start3A_100 : memref<16x512xf32, #tpu.memory_space<vmem>>) offsets(%min3A_97 : vector<16xi32>) semaphore(%arg11 : memref<!tpu.dma_semaphore, #tpu.memory_space<semaphore_mem>>)
      %add3A_104 = arith.constant 176 : i32
      %add3A_105 = arith.addi %squeeze3A, %add3A_104 : i32
      %add3A_106 = vector.broadcast %add3A_105 : i32 to vector<16xi32>
      %add3A_107 = arith.addi %add3A_106, %iota3A : vector<16xi32>
      %min3A_108 = arith.constant 13199 : i32
      %min3A_109 = vector.broadcast %min3A_108 : i32 to vector<16xi32>
      %min3A_110 = arith.minsi %add3A_107, %min3A_109 : vector<16xi32>
      %dma_start3A_111 = arith.constant 48 : i32
      %dma_start3A_112 = arith.constant 0 : i32
      %dma_start3A_113 = tpu.memref_slice %arg8[%dma_start3A_111, %dma_start3A_112] : memref<64x512xf32, #tpu.memory_space<vmem>> -> memref<16x512xf32, #tpu.memory_space<vmem>>
      %dma_start3A_114 = arith.constant 0 : i32
      %dma_start3A_115 = arith.constant 0 : i32
      %dma_start3A_116 = tpu.memref_slice %arg2[%dma_start3A_114, %dma_start3A_115] : memref<13200x512xf32, #tpu.memory_space<hbm>> -> memref<13200x512xf32, #tpu.memory_space<hbm>>
      tpu.enqueue_indirect_dma source(%dma_start3A_116 : memref<13200x512xf32, #tpu.memory_space<hbm>>) target(%dma_start3A_113 : memref<16x512xf32, #tpu.memory_space<vmem>>) offsets(%min3A_110 : vector<16xi32>) semaphore(%arg11 : memref<!tpu.dma_semaphore, #tpu.memory_space<semaphore_mem>>)
    } else {
    }
    %gt3A_42 = arith.constant 0 : i32
    %gt3A_43 = arith.cmpi sgt, %select_n3A, %gt3A_42 : i32
    %convert_element_type3A_44 = arith.extui %gt3A_43 : i1 to i32
    %cond3A_45 = arith.constant 0 : i32
    %cond3A_46 = arith.cmpi ne, %convert_element_type3A_44, %cond3A_45 : i32
    scf.if %cond3A_46 {
      %dma_wait3A = arith.constant 0 : i32
      %dma_wait3A_67 = arith.constant 0 : i32
      %dma_wait3A_68 = tpu.memref_slice %arg2[%dma_wait3A, %dma_wait3A_67] : memref<13200x512xf32, #tpu.memory_space<hbm>> -> memref<64x512xf32, #tpu.memory_space<hbm>>
      %dma_wait3A_69 = arith.constant 0 : i32
      %dma_wait3A_70 = arith.constant 0 : i32
      %dma_wait3A_71 = tpu.memref_slice %arg2[%dma_wait3A_69, %dma_wait3A_70] : memref<13200x512xf32, #tpu.memory_space<hbm>> -> memref<64x512xf32, #tpu.memory_space<hbm>>
      tpu.wait_dma2 semaphore(%arg9 : memref<!tpu.dma_semaphore, #tpu.memory_space<semaphore_mem>>) src(%dma_wait3A_71 : memref<64x512xf32, #tpu.memory_space<hbm>>) dst(%arg6 : memref<64x512xf32, #tpu.memory_space<vmem>>)
      %mul3A_72 = arith.constant 256 : i32
      %mul3A_73 = arith.muli %add3A, %mul3A_72 : i32
      %add3A_74 = arith.constant 0 : i32
      %add3A_75 = arith.addi %mul3A_73, %add3A_74 : i32
      "tpu.region"() ({
        %run_scoped3A = tpu.sem_alloc : memref<!tpu.dma_semaphore, #tpu.memory_space<semaphore_mem>>
        %dma_start3A = arith.constant 0 : i32
        %dma_start3A_76 = tpu.memref_slice %arg4[%add3A_75, %dma_start3A] : memref<8192x512xf32, #tpu.memory_space<hbm>> -> memref<64x512xf32, #tpu.memory_space<hbm>>
        %dma_start3A_77 = arith.constant 0 : i32
        %dma_start3A_78 = tpu.memref_slice %arg4[%add3A_75, %dma_start3A_77] : memref<8192x512xf32, #tpu.memory_space<hbm>> -> memref<64x512xf32, #tpu.memory_space<hbm>>
        tpu.enqueue_dma source(%arg6 : memref<64x512xf32, #tpu.memory_space<vmem>>) target(%dma_start3A_78 : memref<64x512xf32, #tpu.memory_space<hbm>>) target_semaphore(%run_scoped3A : memref<!tpu.dma_semaphore, #tpu.memory_space<semaphore_mem>>)
        %dma_wait3A_79 = arith.constant 0 : i32
        %dma_wait3A_80 = tpu.memref_slice %arg4[%add3A_75, %dma_wait3A_79] : memref<8192x512xf32, #tpu.memory_space<hbm>> -> memref<64x512xf32, #tpu.memory_space<hbm>>
        %dma_wait3A_81 = arith.constant 0 : i32
        %dma_wait3A_82 = tpu.memref_slice %arg4[%add3A_75, %dma_wait3A_81] : memref<8192x512xf32, #tpu.memory_space<hbm>> -> memref<64x512xf32, #tpu.memory_space<hbm>>
        tpu.wait_dma2 semaphore(%run_scoped3A : memref<!tpu.dma_semaphore, #tpu.memory_space<semaphore_mem>>) src(%arg6 : memref<64x512xf32, #tpu.memory_space<vmem>>) dst(%dma_wait3A_82 : memref<64x512xf32, #tpu.memory_space<hbm>>)
        tpu.yield
      }) : () -> ()
    } else {
    }
    %gt3A_47 = arith.constant 3 : i32
    %gt3A_48 = arith.cmpi sgt, %select_n3A, %gt3A_47 : i32
    %convert_element_type3A_49 = arith.extui %gt3A_48 : i1 to i32
    %cond3A_50 = arith.constant 0 : i32
    %cond3A_51 = arith.cmpi ne, %convert_element_type3A_49, %cond3A_50 : i32
    scf.if %cond3A_51 {
      %add3A_67 = arith.constant 192 : i32
      %add3A_68 = arith.addi %squeeze3A, %add3A_67 : i32
      %add3A_69 = vector.broadcast %add3A_68 : i32 to vector<16xi32>
      %add3A_70 = arith.addi %add3A_69, %iota3A : vector<16xi32>
      %min3A = arith.constant 13199 : i32
      %min3A_71 = vector.broadcast %min3A : i32 to vector<16xi32>
      %min3A_72 = arith.minsi %add3A_70, %min3A_71 : vector<16xi32>
      %dma_start3A = arith.constant 0 : i32
      %dma_start3A_73 = arith.constant 0 : i32
      %dma_start3A_74 = tpu.memref_slice %arg6[%dma_start3A, %dma_start3A_73] : memref<64x512xf32, #tpu.memory_space<vmem>> -> memref<16x512xf32, #tpu.memory_space<vmem>>
      %dma_start3A_75 = arith.constant 0 : i32
      %dma_start3A_76 = arith.constant 0 : i32
      %dma_start3A_77 = tpu.memref_slice %arg2[%dma_start3A_75, %dma_start3A_76] : memref<13200x512xf32, #tpu.memory_space<hbm>> -> memref<13200x512xf32, #tpu.memory_space<hbm>>
      tpu.enqueue_indirect_dma source(%dma_start3A_77 : memref<13200x512xf32, #tpu.memory_space<hbm>>) target(%dma_start3A_74 : memref<16x512xf32, #tpu.memory_space<vmem>>) offsets(%min3A_72 : vector<16xi32>) semaphore(%arg9 : memref<!tpu.dma_semaphore, #tpu.memory_space<semaphore_mem>>)
      %add3A_78 = arith.constant 208 : i32
      %add3A_79 = arith.addi %squeeze3A, %add3A_78 : i32
      %add3A_80 = vector.broadcast %add3A_79 : i32 to vector<16xi32>
      %add3A_81 = arith.addi %add3A_80, %iota3A : vector<16xi32>
      %min3A_82 = arith.constant 13199 : i32
      %min3A_83 = vector.broadcast %min3A_82 : i32 to vector<16xi32>
      %min3A_84 = arith.minsi %add3A_81, %min3A_83 : vector<16xi32>
      %dma_start3A_85 = arith.constant 16 : i32
      %dma_start3A_86 = arith.constant 0 : i32
      %dma_start3A_87 = tpu.memref_slice %arg6[%dma_start3A_85, %dma_start3A_86] : memref<64x512xf32, #tpu.memory_space<vmem>> -> memref<16x512xf32, #tpu.memory_space<vmem>>
      %dma_start3A_88 = arith.constant 0 : i32
      %dma_start3A_89 = arith.constant 0 : i32
      %dma_start3A_90 = tpu.memref_slice %arg2[%dma_start3A_88, %dma_start3A_89] : memref<13200x512xf32, #tpu.memory_space<hbm>> -> memref<13200x512xf32, #tpu.memory_space<hbm>>
      tpu.enqueue_indirect_dma source(%dma_start3A_90 : memref<13200x512xf32, #tpu.memory_space<hbm>>) target(%dma_start3A_87 : memref<16x512xf32, #tpu.memory_space<vmem>>) offsets(%min3A_84 : vector<16xi32>) semaphore(%arg9 : memref<!tpu.dma_semaphore, #tpu.memory_space<semaphore_mem>>)
      %add3A_91 = arith.constant 224 : i32
      %add3A_92 = arith.addi %squeeze3A, %add3A_91 : i32
      %add3A_93 = vector.broadcast %add3A_92 : i32 to vector<16xi32>
      %add3A_94 = arith.addi %add3A_93, %iota3A : vector<16xi32>
      %min3A_95 = arith.constant 13199 : i32
      %min3A_96 = vector.broadcast %min3A_95 : i32 to vector<16xi32>
      %min3A_97 = arith.minsi %add3A_94, %min3A_96 : vector<16xi32>
      %dma_start3A_98 = arith.constant 32 : i32
      %dma_start3A_99 = arith.constant 0 : i32
      %dma_start3A_100 = tpu.memref_slice %arg6[%dma_start3A_98, %dma_start3A_99] : memref<64x512xf32, #tpu.memory_space<vmem>> -> memref<16x512xf32, #tpu.memory_space<vmem>>
      %dma_start3A_101 = arith.constant 0 : i32
      %dma_start3A_102 = arith.constant 0 : i32
      %dma_start3A_103 = tpu.memref_slice %arg2[%dma_start3A_101, %dma_start3A_102] : memref<13200x512xf32, #tpu.memory_space<hbm>> -> memref<13200x512xf32, #tpu.memory_space<hbm>>
      tpu.enqueue_indirect_dma source(%dma_start3A_103 : memref<13200x512xf32, #tpu.memory_space<hbm>>) target(%dma_start3A_100 : memref<16x512xf32, #tpu.memory_space<vmem>>) offsets(%min3A_97 : vector<16xi32>) semaphore(%arg9 : memref<!tpu.dma_semaphore, #tpu.memory_space<semaphore_mem>>)
      %add3A_104 = arith.constant 240 : i32
      %add3A_105 = arith.addi %squeeze3A, %add3A_104 : i32
      %add3A_106 = vector.broadcast %add3A_105 : i32 to vector<16xi32>
      %add3A_107 = arith.addi %add3A_106, %iota3A : vector<16xi32>
      %min3A_108 = arith.constant 13199 : i32
      %min3A_109 = vector.broadcast %min3A_108 : i32 to vector<16xi32>
      %min3A_110 = arith.minsi %add3A_107, %min3A_109 : vector<16xi32>
      %dma_start3A_111 = arith.constant 48 : i32
      %dma_start3A_112 = arith.constant 0 : i32
      %dma_start3A_113 = tpu.memref_slice %arg6[%dma_start3A_111, %dma_start3A_112] : memref<64x512xf32, #tpu.memory_space<vmem>> -> memref<16x512xf32, #tpu.memory_space<vmem>>
      %dma_start3A_114 = arith.constant 0 : i32
      %dma_start3A_115 = arith.constant 0 : i32
      %dma_start3A_116 = tpu.memref_slice %arg2[%dma_start3A_114, %dma_start3A_115] : memref<13200x512xf32, #tpu.memory_space<hbm>> -> memref<13200x512xf32, #tpu.memory_space<hbm>>
      tpu.enqueue_indirect_dma source(%dma_start3A_116 : memref<13200x512xf32, #tpu.memory_space<hbm>>) target(%dma_start3A_113 : memref<16x512xf32, #tpu.memory_space<vmem>>) offsets(%min3A_110 : vector<16xi32>) semaphore(%arg9 : memref<!tpu.dma_semaphore, #tpu.memory_space<semaphore_mem>>)
    } else {
    }
    %gt3A_52 = arith.constant 1 : i32
    %gt3A_53 = arith.cmpi sgt, %select_n3A, %gt3A_52 : i32
    %convert_element_type3A_54 = arith.extui %gt3A_53 : i1 to i32
    %cond3A_55 = arith.constant 0 : i32
    %cond3A_56 = arith.cmpi ne, %convert_element_type3A_54, %cond3A_55 : i32
    scf.if %cond3A_56 {
      %dma_wait3A = arith.constant 0 : i32
      %dma_wait3A_67 = arith.constant 0 : i32
      %dma_wait3A_68 = tpu.memref_slice %arg2[%dma_wait3A, %dma_wait3A_67] : memref<13200x512xf32, #tpu.memory_space<hbm>> -> memref<64x512xf32, #tpu.memory_space<hbm>>
      %dma_wait3A_69 = arith.constant 0 : i32
      %dma_wait3A_70 = arith.constant 0 : i32
      %dma_wait3A_71 = tpu.memref_slice %arg2[%dma_wait3A_69, %dma_wait3A_70] : memref<13200x512xf32, #tpu.memory_space<hbm>> -> memref<64x512xf32, #tpu.memory_space<hbm>>
      tpu.wait_dma2 semaphore(%arg10 : memref<!tpu.dma_semaphore, #tpu.memory_space<semaphore_mem>>) src(%dma_wait3A_71 : memref<64x512xf32, #tpu.memory_space<hbm>>) dst(%arg7 : memref<64x512xf32, #tpu.memory_space<vmem>>)
      %mul3A_72 = arith.constant 256 : i32
      %mul3A_73 = arith.muli %add3A, %mul3A_72 : i32
      %add3A_74 = arith.constant 64 : i32
      %add3A_75 = arith.addi %mul3A_73, %add3A_74 : i32
      "tpu.region"() ({
        %run_scoped3A = tpu.sem_alloc : memref<!tpu.dma_semaphore, #tpu.memory_space<semaphore_mem>>
        %dma_start3A = arith.constant 0 : i32
        %dma_start3A_76 = tpu.memref_slice %arg4[%add3A_75, %dma_start3A] : memref<8192x512xf32, #tpu.memory_space<hbm>> -> memref<64x512xf32, #tpu.memory_space<hbm>>
        %dma_start3A_77 = arith.constant 0 : i32
        %dma_start3A_78 = tpu.memref_slice %arg4[%add3A_75, %dma_start3A_77] : memref<8192x512xf32, #tpu.memory_space<hbm>> -> memref<64x512xf32, #tpu.memory_space<hbm>>
        tpu.enqueue_dma source(%arg7 : memref<64x512xf32, #tpu.memory_space<vmem>>) target(%dma_start3A_78 : memref<64x512xf32, #tpu.memory_space<hbm>>) target_semaphore(%run_scoped3A : memref<!tpu.dma_semaphore, #tpu.memory_space<semaphore_mem>>)
        %dma_wait3A_79 = arith.constant 0 : i32
        %dma_wait3A_80 = tpu.memref_slice %arg4[%add3A_75, %dma_wait3A_79] : memref<8192x512xf32, #tpu.memory_space<hbm>> -> memref<64x512xf32, #tpu.memory_space<hbm>>
        %dma_wait3A_81 = arith.constant 0 : i32
        %dma_wait3A_82 = tpu.memref_slice %arg4[%add3A_75, %dma_wait3A_81] : memref<8192x512xf32, #tpu.memory_space<hbm>> -> memref<64x512xf32, #tpu.memory_space<hbm>>
        tpu.wait_dma2 semaphore(%run_scoped3A : memref<!tpu.dma_semaphore, #tpu.memory_space<semaphore_mem>>) src(%arg7 : memref<64x512xf32, #tpu.memory_space<vmem>>) dst(%dma_wait3A_82 : memref<64x512xf32, #tpu.memory_space<hbm>>)
        tpu.yield
      }) : () -> ()
    } else {
    }
    %gt3A_57 = arith.constant 2 : i32
    %gt3A_58 = arith.cmpi sgt, %select_n3A, %gt3A_57 : i32
    %convert_element_type3A_59 = arith.extui %gt3A_58 : i1 to i32
    %cond3A_60 = arith.constant 0 : i32
    %cond3A_61 = arith.cmpi ne, %convert_element_type3A_59, %cond3A_60 : i32
    scf.if %cond3A_61 {
      %dma_wait3A = arith.constant 0 : i32
      %dma_wait3A_67 = arith.constant 0 : i32
      %dma_wait3A_68 = tpu.memref_slice %arg2[%dma_wait3A, %dma_wait3A_67] : memref<13200x512xf32, #tpu.memory_space<hbm>> -> memref<64x512xf32, #tpu.memory_space<hbm>>
      %dma_wait3A_69 = arith.constant 0 : i32
      %dma_wait3A_70 = arith.constant 0 : i32
      %dma_wait3A_71 = tpu.memref_slice %arg2[%dma_wait3A_69, %dma_wait3A_70] : memref<13200x512xf32, #tpu.memory_space<hbm>> -> memref<64x512xf32, #tpu.memory_space<hbm>>
      tpu.wait_dma2 semaphore(%arg11 : memref<!tpu.dma_semaphore, #tpu.memory_space<semaphore_mem>>) src(%dma_wait3A_71 : memref<64x512xf32, #tpu.memory_space<hbm>>) dst(%arg8 : memref<64x512xf32, #tpu.memory_space<vmem>>)
      %mul3A_72 = arith.constant 256 : i32
      %mul3A_73 = arith.muli %add3A, %mul3A_72 : i32
      %add3A_74 = arith.constant 128 : i32
      %add3A_75 = arith.addi %mul3A_73, %add3A_74 : i32
      "tpu.region"() ({
        %run_scoped3A = tpu.sem_alloc : memref<!tpu.dma_semaphore, #tpu.memory_space<semaphore_mem>>
        %dma_start3A = arith.constant 0 : i32
        %dma_start3A_76 = tpu.memref_slice %arg4[%add3A_75, %dma_start3A] : memref<8192x512xf32, #tpu.memory_space<hbm>> -> memref<64x512xf32, #tpu.memory_space<hbm>>
        %dma_start3A_77 = arith.constant 0 : i32
        %dma_start3A_78 = tpu.memref_slice %arg4[%add3A_75, %dma_start3A_77] : memref<8192x512xf32, #tpu.memory_space<hbm>> -> memref<64x512xf32, #tpu.memory_space<hbm>>
        tpu.enqueue_dma source(%arg8 : memref<64x512xf32, #tpu.memory_space<vmem>>) target(%dma_start3A_78 : memref<64x512xf32, #tpu.memory_space<hbm>>) target_semaphore(%run_scoped3A : memref<!tpu.dma_semaphore, #tpu.memory_space<semaphore_mem>>)
        %dma_wait3A_79 = arith.constant 0 : i32
        %dma_wait3A_80 = tpu.memref_slice %arg4[%add3A_75, %dma_wait3A_79] : memref<8192x512xf32, #tpu.memory_space<hbm>> -> memref<64x512xf32, #tpu.memory_space<hbm>>
        %dma_wait3A_81 = arith.constant 0 : i32
        %dma_wait3A_82 = tpu.memref_slice %arg4[%add3A_75, %dma_wait3A_81] : memref<8192x512xf32, #tpu.memory_space<hbm>> -> memref<64x512xf32, #tpu.memory_space<hbm>>
        tpu.wait_dma2 semaphore(%run_scoped3A : memref<!tpu.dma_semaphore, #tpu.memory_space<semaphore_mem>>) src(%arg8 : memref<64x512xf32, #tpu.memory_space<vmem>>) dst(%dma_wait3A_82 : memref<64x512xf32, #tpu.memory_space<hbm>>)
        tpu.yield
      }) : () -> ()
    } else {
    }
    %gt3A_62 = arith.constant 3 : i32
    %gt3A_63 = arith.cmpi sgt, %select_n3A, %gt3A_62 : i32
    %convert_element_type3A_64 = arith.extui %gt3A_63 : i1 to i32
    %cond3A_65 = arith.constant 0 : i32
    %cond3A_66 = arith.cmpi ne, %convert_element_type3A_64, %cond3A_65 : i32
    scf.if %cond3A_66 {
      %dma_wait3A = arith.constant 0 : i32
      %dma_wait3A_67 = arith.constant 0 : i32
      %dma_wait3A_68 = tpu.memref_slice %arg2[%dma_wait3A, %dma_wait3A_67] : memref<13200x512xf32, #tpu.memory_space<hbm>> -> memref<64x512xf32, #tpu.memory_space<hbm>>
      %dma_wait3A_69 = arith.constant 0 : i32
      %dma_wait3A_70 = arith.constant 0 : i32
      %dma_wait3A_71 = tpu.memref_slice %arg2[%dma_wait3A_69, %dma_wait3A_70] : memref<13200x512xf32, #tpu.memory_space<hbm>> -> memref<64x512xf32, #tpu.memory_space<hbm>>
      tpu.wait_dma2 semaphore(%arg9 : memref<!tpu.dma_semaphore, #tpu.memory_space<semaphore_mem>>) src(%dma_wait3A_71 : memref<64x512xf32, #tpu.memory_space<hbm>>) dst(%arg6 : memref<64x512xf32, #tpu.memory_space<vmem>>)
      %mul3A_72 = arith.constant 256 : i32
      %mul3A_73 = arith.muli %add3A, %mul3A_72 : i32
      %add3A_74 = arith.constant 192 : i32
      %add3A_75 = arith.addi %mul3A_73, %add3A_74 : i32
      "tpu.region"() ({
        %run_scoped3A = tpu.sem_alloc : memref<!tpu.dma_semaphore, #tpu.memory_space<semaphore_mem>>
        %dma_start3A = arith.constant 0 : i32
        %dma_start3A_76 = tpu.memref_slice %arg4[%add3A_75, %dma_start3A] : memref<8192x512xf32, #tpu.memory_space<hbm>> -> memref<64x512xf32, #tpu.memory_space<hbm>>
        %dma_start3A_77 = arith.constant 0 : i32
        %dma_start3A_78 = tpu.memref_slice %arg4[%add3A_75, %dma_start3A_77] : memref<8192x512xf32, #tpu.memory_space<hbm>> -> memref<64x512xf32, #tpu.memory_space<hbm>>
        tpu.enqueue_dma source(%arg6 : memref<64x512xf32, #tpu.memory_space<vmem>>) target(%dma_start3A_78 : memref<64x512xf32, #tpu.memory_space<hbm>>) target_semaphore(%run_scoped3A : memref<!tpu.dma_semaphore, #tpu.memory_space<semaphore_mem>>)
        %dma_wait3A_79 = arith.constant 0 : i32
        %dma_wait3A_80 = tpu.memref_slice %arg4[%add3A_75, %dma_wait3A_79] : memref<8192x512xf32, #tpu.memory_space<hbm>> -> memref<64x512xf32, #tpu.memory_space<hbm>>
        %dma_wait3A_81 = arith.constant 0 : i32
        %dma_wait3A_82 = tpu.memref_slice %arg4[%add3A_75, %dma_wait3A_81] : memref<8192x512xf32, #tpu.memory_space<hbm>> -> memref<64x512xf32, #tpu.memory_space<hbm>>
        tpu.wait_dma2 semaphore(%run_scoped3A : memref<!tpu.dma_semaphore, #tpu.memory_space<semaphore_mem>>) src(%arg6 : memref<64x512xf32, #tpu.memory_space<vmem>>) dst(%dma_wait3A_82 : memref<64x512xf32, #tpu.memory_space<hbm>>)
        tpu.yield
      }) : () -> ()
    } else {
    }
    return
  }
}

module attributes {stable_mosaic.version = 14 : i64} {
  func.func @_tc_body(%arg0: i32, %arg1: memref<16x4xi32, #tpu.memory_space<smem>>, %arg2: memref<1x512x512xf32, #tpu.memory_space<vmem>>, %arg3: memref<13200x512xf32, #tpu.memory_space<any>>, %arg4: memref<1x512x512xf32, #tpu.memory_space<vmem>>, %arg5: memref<2x520x512xf32, #tpu.memory_space<vmem>>, %arg6: memref<2x!tpu.dma_semaphore, #tpu.memory_space<semaphore_mem>>) attributes {dimension_semantics = [#tpu.dimension_semantics<arbitrary>], iteration_bounds = array<i64: 16>, scalar_prefetch = 0 : i64, scratch_operands = 2 : i64, tpu.core_type = #tpu.core_type<tc>, window_params = [{transform_indices = @transform_0, window_bounds = array<i64: 16, 4>}, {transform_indices = @transform_1, window_bounds = array<i64: 1, 512, 512>}, {}, {transform_indices = @transform_3, window_bounds = array<i64: 1, 512, 512>}]} {
    %get3A = arith.index_cast %arg0 : i32 to index
    %get3A_0 = arith.constant 0 : index
    %get3A_1 = memref.load %arg1[%get3A, %get3A_0] : memref<16x4xi32, #tpu.memory_space<smem>>
    %get3A_2 = arith.index_cast %arg0 : i32 to index
    %get3A_3 = arith.constant 1 : index
    %get3A_4 = memref.load %arg1[%get3A_2, %get3A_3] : memref<16x4xi32, #tpu.memory_space<smem>>
    %eq3A = arith.constant 0 : i32
    %eq3A_5 = arith.cmpi eq, %arg0, %eq3A : i32
    %convert_element_type3A = arith.extui %eq3A_5 : i1 to i32
    %cond3A = arith.constant 0 : i32
    %cond3A_6 = arith.cmpi ne, %convert_element_type3A, %cond3A : i32
    scf.if %cond3A_6 {
      %get3A_84 = arith.constant 0 : index
      %get3A_85 = arith.constant 2 : index
      %get3A_86 = memref.load %arg1[%get3A_84, %get3A_85] : memref<16x4xi32, #tpu.memory_space<smem>>
      %multiple_of3A = tpu.assume_multiple %get3A_86, 8 : i32
      %dma_start3A = arith.constant 0 : i32
      %dma_start3A_87 = arith.constant 0 : i32
      %dma_start3A_88 = tpu.memref_slice %arg6[%dma_start3A_87] : memref<2x!tpu.dma_semaphore, #tpu.memory_space<semaphore_mem>> -> memref<1x!tpu.dma_semaphore, #tpu.memory_space<semaphore_mem>>
      %dma_start3A_89 = tpu.memref_squeeze %dma_start3A_88 : memref<1x!tpu.dma_semaphore, #tpu.memory_space<semaphore_mem>> -> memref<!tpu.dma_semaphore, #tpu.memory_space<semaphore_mem>>
      %dma_start3A_90 = arith.constant 0 : i32
      %dma_start3A_91 = arith.constant 0 : i32
      %dma_start3A_92 = tpu.memref_slice %arg5[%dma_start3A, %dma_start3A_90, %dma_start3A_91] : memref<2x520x512xf32, #tpu.memory_space<vmem>> -> memref<1x520x512xf32, #tpu.memory_space<vmem>>
      %dma_start3A_93 = tpu.memref_squeeze %dma_start3A_92 : memref<1x520x512xf32, #tpu.memory_space<vmem>> -> memref<520x512xf32, #tpu.memory_space<vmem>>
      %dma_start3A_94 = arith.constant 0 : i32
      %dma_start3A_95 = tpu.memref_slice %arg3[%multiple_of3A, %dma_start3A_94] : memref<13200x512xf32, #tpu.memory_space<any>> -> memref<520x512xf32, #tpu.memory_space<any>>
      tpu.enqueue_dma source(%dma_start3A_95 : memref<520x512xf32, #tpu.memory_space<any>>) target(%dma_start3A_93 : memref<520x512xf32, #tpu.memory_space<vmem>>) target_semaphore(%dma_start3A_89 : memref<!tpu.dma_semaphore, #tpu.memory_space<semaphore_mem>>)
    } else {
    }
    %add3A = arith.constant 1 : i32
    %add3A_7 = arith.addi %arg0, %add3A : i32
    %lt3A = arith.constant 16 : i32
    %lt3A_8 = arith.cmpi slt, %add3A_7, %lt3A : i32
    %convert_element_type3A_9 = arith.extui %lt3A_8 : i1 to i32
    %cond3A_10 = arith.constant 0 : i32
    %cond3A_11 = arith.cmpi ne, %convert_element_type3A_9, %cond3A_10 : i32
    scf.if %cond3A_11 {
      %add3A_84 = arith.constant 1 : i32
      %add3A_85 = arith.addi %arg0, %add3A_84 : i32
      %add3A_86 = arith.constant 1 : i32
      %add3A_87 = arith.addi %arg0, %add3A_86 : i32
      %jit3A_88 = arith.constant 2 : i32
      %eq3A_89 = arith.constant 0 : i32
      %eq3A_90 = arith.cmpi eq, %jit3A_88, %eq3A_89 : i32
      %jit3A_91 = arith.constant 1 : i32
      %select_n3A_92 = arith.select %eq3A_90, %jit3A_91, %jit3A_88 : i32
      %rem3A_93 = arith.remsi %add3A_87, %select_n3A_92 : i32
      %ne3A_94 = arith.constant 0 : i32
      %ne3A_95 = arith.cmpi ne, %rem3A_93, %ne3A_94 : i32
      %lt3A_96 = arith.constant 0 : i32
      %lt3A_97 = arith.cmpi slt, %rem3A_93, %lt3A_96 : i32
      %lt3A_98 = arith.constant 0 : i32
      %lt3A_99 = arith.cmpi slt, %select_n3A_92, %lt3A_98 : i32
      %ne3A_100 = arith.xori %lt3A_97, %lt3A_99 : i1
      %and3A_101 = arith.andi %ne3A_100, %ne3A_95 : i1
      %add3A_102 = arith.addi %rem3A_93, %select_n3A_92 : i32
      %select_n3A_103 = arith.select %and3A_101, %add3A_102, %rem3A_93 : i32
      %get3A_104 = arith.index_cast %add3A_85 : i32 to index
      %get3A_105 = arith.constant 2 : index
      %get3A_106 = memref.load %arg1[%get3A_104, %get3A_105] : memref<16x4xi32, #tpu.memory_space<smem>>
      %multiple_of3A = tpu.assume_multiple %get3A_106, 8 : i32
      %dma_start3A = tpu.memref_slice %arg6[%select_n3A_103] : memref<2x!tpu.dma_semaphore, #tpu.memory_space<semaphore_mem>> -> memref<1x!tpu.dma_semaphore, #tpu.memory_space<semaphore_mem>>
      %dma_start3A_107 = tpu.memref_squeeze %dma_start3A : memref<1x!tpu.dma_semaphore, #tpu.memory_space<semaphore_mem>> -> memref<!tpu.dma_semaphore, #tpu.memory_space<semaphore_mem>>
      %dma_start3A_108 = arith.constant 0 : i32
      %dma_start3A_109 = arith.constant 0 : i32
      %dma_start3A_110 = tpu.memref_slice %arg5[%select_n3A_103, %dma_start3A_108, %dma_start3A_109] : memref<2x520x512xf32, #tpu.memory_space<vmem>> -> memref<1x520x512xf32, #tpu.memory_space<vmem>>
      %dma_start3A_111 = tpu.memref_squeeze %dma_start3A_110 : memref<1x520x512xf32, #tpu.memory_space<vmem>> -> memref<520x512xf32, #tpu.memory_space<vmem>>
      %dma_start3A_112 = arith.constant 0 : i32
      %dma_start3A_113 = tpu.memref_slice %arg3[%multiple_of3A, %dma_start3A_112] : memref<13200x512xf32, #tpu.memory_space<any>> -> memref<520x512xf32, #tpu.memory_space<any>>
      tpu.enqueue_dma source(%dma_start3A_113 : memref<520x512xf32, #tpu.memory_space<any>>) target(%dma_start3A_111 : memref<520x512xf32, #tpu.memory_space<vmem>>) target_semaphore(%dma_start3A_107 : memref<!tpu.dma_semaphore, #tpu.memory_space<semaphore_mem>>)
    } else {
    }
    %jit3A = arith.constant 2 : i32
    %eq3A_12 = arith.constant 0 : i32
    %eq3A_13 = arith.cmpi eq, %jit3A, %eq3A_12 : i32
    %jit3A_14 = arith.constant 1 : i32
    %select_n3A = arith.select %eq3A_13, %jit3A_14, %jit3A : i32
    %rem3A = arith.remsi %arg0, %select_n3A : i32
    %ne3A = arith.constant 0 : i32
    %ne3A_15 = arith.cmpi ne, %rem3A, %ne3A : i32
    %lt3A_16 = arith.constant 0 : i32
    %lt3A_17 = arith.cmpi slt, %rem3A, %lt3A_16 : i32
    %lt3A_18 = arith.constant 0 : i32
    %lt3A_19 = arith.cmpi slt, %select_n3A, %lt3A_18 : i32
    %ne3A_20 = arith.xori %lt3A_17, %lt3A_19 : i1
    %and3A = arith.andi %ne3A_20, %ne3A_15 : i1
    %add3A_21 = arith.addi %rem3A, %select_n3A : i32
    %select_n3A_22 = arith.select %and3A, %add3A_21, %rem3A : i32
    %dma_wait3A = tpu.memref_slice %arg6[%select_n3A_22] : memref<2x!tpu.dma_semaphore, #tpu.memory_space<semaphore_mem>> -> memref<1x!tpu.dma_semaphore, #tpu.memory_space<semaphore_mem>>
    %dma_wait3A_23 = tpu.memref_squeeze %dma_wait3A : memref<1x!tpu.dma_semaphore, #tpu.memory_space<semaphore_mem>> -> memref<!tpu.dma_semaphore, #tpu.memory_space<semaphore_mem>>
    %dma_wait3A_24 = arith.constant 0 : i32
    %dma_wait3A_25 = arith.constant 0 : i32
    %dma_wait3A_26 = tpu.memref_slice %arg5[%select_n3A_22, %dma_wait3A_24, %dma_wait3A_25] : memref<2x520x512xf32, #tpu.memory_space<vmem>> -> memref<1x520x512xf32, #tpu.memory_space<vmem>>
    %dma_wait3A_27 = tpu.memref_squeeze %dma_wait3A_26 : memref<1x520x512xf32, #tpu.memory_space<vmem>> -> memref<520x512xf32, #tpu.memory_space<vmem>>
    %dma_wait3A_28 = arith.constant 0 : i32
    %dma_wait3A_29 = arith.constant 0 : i32
    %dma_wait3A_30 = tpu.memref_slice %arg3[%dma_wait3A_28, %dma_wait3A_29] : memref<13200x512xf32, #tpu.memory_space<any>> -> memref<520x512xf32, #tpu.memory_space<any>>
    tpu.wait_dma2 semaphore(%dma_wait3A_23 : memref<!tpu.dma_semaphore, #tpu.memory_space<semaphore_mem>>) src(%dma_wait3A_30 : memref<520x512xf32, #tpu.memory_space<any>>) dst(%dma_wait3A_27 : memref<520x512xf32, #tpu.memory_space<vmem>>)
    %get3A_31 = arith.index_cast %arg0 : i32 to index
    %get3A_32 = arith.constant 3 : index
    %get3A_33 = memref.load %arg1[%get3A_31, %get3A_32] : memref<16x4xi32, #tpu.memory_space<smem>>
    %jit3A_34 = arith.constant 2 : i32
    %eq3A_35 = arith.constant 0 : i32
    %eq3A_36 = arith.cmpi eq, %jit3A_34, %eq3A_35 : i32
    %jit3A_37 = arith.constant 1 : i32
    %select_n3A_38 = arith.select %eq3A_36, %jit3A_37, %jit3A_34 : i32
    %rem3A_39 = arith.remsi %arg0, %select_n3A_38 : i32
    %ne3A_40 = arith.constant 0 : i32
    %ne3A_41 = arith.cmpi ne, %rem3A_39, %ne3A_40 : i32
    %lt3A_42 = arith.constant 0 : i32
    %lt3A_43 = arith.cmpi slt, %rem3A_39, %lt3A_42 : i32
    %lt3A_44 = arith.constant 0 : i32
    %lt3A_45 = arith.cmpi slt, %select_n3A_38, %lt3A_44 : i32
    %ne3A_46 = arith.xori %lt3A_43, %lt3A_45 : i1
    %and3A_47 = arith.andi %ne3A_46, %ne3A_41 : i1
    %add3A_48 = arith.addi %rem3A_39, %select_n3A_38 : i32
    %select_n3A_49 = arith.select %and3A_47, %add3A_48, %rem3A_39 : i32
    %get3A_50 = arith.index_cast %select_n3A_49 : i32 to index
    %get3A_51 = arith.constant 0 : index
    %get3A_52 = arith.constant 0 : index
    %get3A_53 = vector.load %arg5[%get3A_50, %get3A_51, %get3A_52] : memref<2x520x512xf32, #tpu.memory_space<vmem>>, vector<1x520x512xf32>
    %get3A_54 = vector.shape_cast %get3A_53 : vector<1x520x512xf32> to vector<520x512xf32>
    %sub3A = arith.constant 520 : i32
    %sub3A_55 = arith.subi %sub3A, %get3A_33 : i32
    %roll3A = tpu.dynamic_rotate %get3A_54 by %sub3A_55 dim 0 : vector<520x512xf32>, i32 -> vector<520x512xf32>
    %slice3A = vector.extract_strided_slice %roll3A {offsets = [0, 0], sizes = [512, 512], strides = [1, 1]} : vector<520x512xf32> to vector<512x512xf32>
    %get3A_56 = arith.constant 0 : index
    %get3A_57 = arith.constant 0 : index
    %get3A_58 = arith.constant 0 : index
    %get3A_59 = vector.load %arg2[%get3A_56, %get3A_57, %get3A_58] : memref<1x512x512xf32, #tpu.memory_space<vmem>>, vector<1x512x512xf32>
    %get3A_60 = vector.shape_cast %get3A_59 : vector<1x512x512xf32> to vector<512x512xf32>
    %dot_general3A = arith.constant dense<0.000000e+00> : vector<512x512xf32>
    %dot_general3A_61 = tpu.matmul %get3A_60, %slice3A, %dot_general3A {dimension_numbers = #tpu.dot_dimension_numbers<[1], [1], [0], [0], [0, 0, 1, 0], [], []>, transpose_lhs_hint = false} : vector<512x512xf32>, vector<512x512xf32>, vector<512x512xf32> -> vector<512x512xf32>
    %iota3A = tpu.iota {dimensions = array<i32: 0>} : vector<512x1xi32>
    %iota3A_62 = tpu.iota {dimensions = array<i32: 1>} : vector<1x512xi32>
    %lt3A_63 = vector.broadcast %get3A_1 : i32 to vector<512x1xi32>
    %lt3A_64 = arith.cmpi slt, %iota3A, %lt3A_63 : vector<512x1xi32>
    %jit3A_65 = arith.constant 0.0441941731 : f32
    %jit3A_66 = arith.constant 0.000000e+00 : f32
    %broadcast_in_dim3A = vector.broadcast %jit3A_65 : f32 to vector<512x1xf32>
    %broadcast_in_dim3A_67 = vector.broadcast %jit3A_66 : f32 to vector<512x1xf32>
    %select_n3A_68 = arith.select %lt3A_64, %broadcast_in_dim3A, %broadcast_in_dim3A_67 : vector<512x1xi1>, vector<512x1xf32>
    %lt3A_69 = vector.broadcast %get3A_4 : i32 to vector<1x512xi32>
    %lt3A_70 = arith.cmpi slt, %iota3A_62, %lt3A_69 : vector<1x512xi32>
    %jit3A_71 = arith.constant 1.000000e+00 : f32
    %jit3A_72 = arith.constant 0.000000e+00 : f32
    %broadcast_in_dim3A_73 = vector.broadcast %jit3A_71 : f32 to vector<1x512xf32>
    %broadcast_in_dim3A_74 = vector.broadcast %jit3A_72 : f32 to vector<1x512xf32>
    %select_n3A_75 = arith.select %lt3A_70, %broadcast_in_dim3A_73, %broadcast_in_dim3A_74 : vector<1x512xi1>, vector<1x512xf32>
    %mul3A = vector.broadcast %select_n3A_68 : vector<512x1xf32> to vector<512x512xf32>
    %mul3A_76 = arith.mulf %dot_general3A_61, %mul3A : vector<512x512xf32>
    %mul3A_77 = vector.broadcast %select_n3A_75 : vector<1x512xf32> to vector<512x512xf32>
    %mul3A_78 = arith.mulf %mul3A_76, %mul3A_77 : vector<512x512xf32>
    %swap3A = arith.constant 0 : index
    %swap3A_79 = arith.constant 0 : index
    %swap3A_80 = arith.constant 0 : index
    %swap3A_81 = vector.load %arg4[%swap3A, %swap3A_79, %swap3A_80] : memref<1x512x512xf32, #tpu.memory_space<vmem>>, vector<1x512x512xf32>
    %swap3A_82 = vector.shape_cast %swap3A_81 : vector<1x512x512xf32> to vector<512x512xf32>
    %swap3A_83 = vector.shape_cast %mul3A_78 : vector<512x512xf32> to vector<1x512x512xf32>
    tpu.vector_store %arg4[%swap3A, %swap3A_79, %swap3A_80], %swap3A_83 {strides = array<i32>} : memref<1x512x512xf32, #tpu.memory_space<vmem>>, vector<1x512x512xf32>,
    return
  }
  func.func @transform_0(%arg0: i32) -> (i32, i32) {
    %c0_i32 = arith.constant 0 : i32
    %c0_i32_0 = arith.constant 0 : i32
    %c0_i32_1 = arith.constant 0 : i32
    return %c0_i32, %c0_i32_0 : i32, i32
  }
  func.func @transform_1(%arg0: i32) -> (i32, i32, i32) {
    %c0_i32 = arith.constant 0 : i32
    %c0_i32_0 = arith.constant 0 : i32
    %c0_i32_1 = arith.constant 0 : i32
    return %arg0, %c0_i32, %c0_i32_0 : i32, i32, i32
  }
  func.func @transform_3(%arg0: i32) -> (i32, i32, i32) {
    %c0_i32 = arith.constant 0 : i32
    %c0_i32_0 = arith.constant 0 : i32
    %c0_i32_1 = arith.constant 0 : i32
    return %arg0, %c0_i32, %c0_i32_0 : i32, i32, i32
  }
}

</mosaic_0001>

<sc_bundles>
// kernel: kernel.4.cloned.1.call-start
scs
__scs_entry_jumppad:
0x0: {  	(pc) =	sbr.rel $0x88, $3  }
0x1: {  	(tag) =	ssettag $0x0;
	lr =	simm.s32 $0x1  }
0x2: {  	[smem:$0x3F9F] =	sst lr;
	_ =	strace $0xD0000000  }
0x3: {  	_ = 	snop  }
0x4: {  	_ = 	snop  }
0x5: {  	_ = 	snop  }
0x6: {  	_ = 	snop  }
0x7: {  	_ = 	snop  }
__scs_overlays_trampoline_lowered:
0x8: {  	[smem:$0x3FAE] =	sst s0  }
0x9: {  	[smem:$0x3FAF] =	sst s1  }
0xa: {  	[smem:$0x3FB0] =	sst s2  }
0xb: {  	[smem:$0x3FB1] =	sst s3  }
0xc: {  	[smem:$0x3FB2] =	sst s4  }
0xd: {  	[smem:$0x3FB3] =	sst s5  }
0xe: {  	[smem:$0x3FB4] =	sst s6  }
0xf: {  	[smem:$0x3FB5] =	sst s7  }
0x10: {  	[smem:$0x3FB6] =	sst s8  }
0x11: {  	[smem:$0x3FB7] =	sst s9;
	s0 =	simm.s32 @!p0 $0x0  }
0x12: {  	s1 =	sld [smem:$0x3F9D];
	s0 =	simm.s32 @p0 $0x1  }
0x13: {  	[smem:$0x3FB8] =	sst s0;
	s0 =	simm.s32 @!p1 $0x0  }
0x14: {  	s2 =	sld [smem:$0x3F9C];
	s0 =	simm.s32 @p1 $0x1  }
0x15: {  	[smem:$0x3FB9] =	sst s0;
	s0 =	simm.s32 @!p2 $0x0  }
0x16: {  	s3 =	sld [smem:$0x3FDB];
	s0 =	simm.s32 @p2 $0x1  }
0x17: {  	s4 =	simm.s32 $0x1BF5;
	[smem:$0x3FBB] =	sst s0  }
0x18: {  	s0 =	sld [smem:$0x3F9E];
	_ =	swait.ge [sflag:s4], $0x0  }
0x19: {  	s7 =	sld [smem:$0x3F9F]  }
0x1a: {  	s8 =	sadd.s32 $0xFFFFE003, lr  }
0x1b: {  	s9 =	sadd.s32 $0xFFFFFEF7, lr;
	s5 =	simm.s32 $0xFFFFFFFF;
	p2 =	slt.u32 s8, $0xFFFFF086  }
0x1c: {  	p1 =	slt.u32 s9, $0xF7A;
	s5 =	simm.s32 @!p2 $0x0  }
0x1d: {  	s5 =	simm.s32 @p1 $0x1;
	p0 =	seq.s32 s7, s2  }
0x1e: {  	s7 =	smul.u32 @!p0 $0xF7A, s2;
	p2 =	seq.s32 @!p0 s5, $0x0  }
0x1f: {  	s9 =	smul.u32 $0xF7A, s1;
	s8 =	simm.s32 @!p0 $0x1BF5;
	p2 =	por !p2, p0  }
0x20: {  	[sflag:s8] =	ssyncset.s32 @!p0 $0xFFFFF086;
	s6 =	sadd.s32 @!p0 s3, s7;
	s7 =	simm.s32 @!p0 $0x108  }
0x21: {  	s3 =	sadd.s32 s3, s9;
	s6 =	sadd.s32 @!p0 $0x88, s6;
	s7 =	simm.s32 @p2 $0x1082  }
0x22: {  	[simem:s7], [sflag:s8] =	dma.local @!p0 [hbm:s6], $0xF7A  }
0x23: {  	s9 =	sor.u32 $0xD0000000, s2;
	s6 =	simm.s32 $0x108;
	_ =	swait.ge @!p0 [sflag:s8], $0x0  }
0x24: {  	s3 =	sadd.s32 $0x88, s3;
	s6 =	simm.s32 @!p1 $0x1082;
	[sflag:s4] =	ssyncset.s32 $0xFFFFF086  }
0x25: {  	[simem:s6], [sflag:s4] =	dma.local [hbm:s3], $0xF7A  }
0x26: {  	[smem:$0x3F9F] =	sst s1;
	(tag) =	ssettag s2;
	_ =	strace s9  }
0x27: {  	s1 =	sld [smem:$0x3FAF]  }
0x28: {  	s2 =	sld [smem:$0x3FB0]  }
0x29: {  	s4 =	sld [smem:$0x3FB2]  }
0x2a: {  	p0 =	seq.s32 s5, $0x0;
	s5 =	sld [smem:$0x3FB3]  }
0x2b: {  	s6 =	sld [smem:$0x3FB4]  }
0x2c: {  	s7 =	sld [smem:$0x3FB5]  }
0x2d: {  	s3 =	simm.s32 $0x108;
	s8 =	sld [smem:$0x3FB6]  }
0x2e: {  	s3 =	simm.s32 @!p0 $0x1082;
	s9 =	sld [smem:$0x3FB7]  }
0x2f: {  	lr =	sadd.s32 s0, s3;
	s0 =	sld [smem:$0x3FAE]  }
0x30: {  	s3 =	sld [smem:$0x3FB1]  }
0x31: {  	[smem:$0x3FBA] =	sst s10  }
0x32: {  	s10 =	sld [smem:$0x3FB8];
	_ =	sdelay $0x3  }
0x33: {  	p0 =	seq.s32 s10, $0x1;
	s10 =	sld [smem:$0x3FBA];
	_ =	sdelay $0x3  }
0x34: {  	[smem:$0x3FBA] =	sst s10  }
0x35: {  	s10 =	sld [smem:$0x3FB9];
	_ =	sdelay $0x3  }
0x36: {  	p1 =	seq.s32 s10, $0x1;
	s10 =	sld [smem:$0x3FBA];
	_ =	sdelay $0x3  }
0x37: {  	[smem:$0x3FBA] =	sst s10  }
0x38: {  	s10 =	sld [smem:$0x3FBB]  }
0x39: {  	_ = 	snop;
	(pc) =	sbr.ind lr, $3  }
0x3a: {  	_ = 	snop  }
0x3b: {  	_ = 	snop  }
0x3c: {  	p2 =	seq.s32 s10, $0x1;
	s10 =	sld [smem:$0x3FBA]  }
0x3d: {  	_ =	shalt  }
0x3e: {  	_ =	shalt  }
0x3f: {  	_ =	shalt  }
0x40: {  	_ =	shalt  }
0x41: {  	_ =	shalt  }
0x42: {  	_ =	shalt  }
0x43: {  	_ =	shalt  }
0x44: {  	_ =	shalt  }
0x45: {  	_ =	shalt  }
0x46: {  	_ =	shalt  }
0x47: {  	_ =	shalt  }
0x48: {  	_ =	shalt  }
0x49: {  	_ =	shalt  }
0x4a: {  	_ =	shalt  }
0x4b: {  	_ =	shalt  }
0x4c: {  	_ =	shalt  }
0x4d: {  	_ =	shalt  }
0x4e: {  	_ =	shalt  }
0x4f: {  	_ =	shalt  }
0x50: {  	_ =	shalt  }
0x51: {  	_ =	shalt  }
0x52: {  	_ =	shalt  }
0x53: {  	_ =	shalt  }
0x54: {  	_ =	shalt  }
0x55: {  	_ =	shalt  }
0x56: {  	_ =	shalt  }
0x57: {  	_ =	shalt  }
0x58: {  	_ =	shalt  }
0x59: {  	_ =	shalt  }
0x5a: {  	_ =	shalt  }
0x5b: {  	_ =	shalt  }
0x5c: {  	_ =	shalt  }
0x5d: {  	_ =	shalt  }
0x5e: {  	_ =	shalt  }
0x5f: {  	_ =	shalt  }
0x60: {  	_ =	shalt  }
0x61: {  	_ =	shalt  }
0x62: {  	_ =	shalt  }
0x63: {  	_ =	shalt  }
0x64: {  	_ =	shalt  }
0x65: {  	_ =	shalt  }
0x66: {  	_ =	shalt  }
0x67: {  	_ =	shalt  }
0x68: {  	_ =	shalt  }
0x69: {  	_ =	shalt  }
0x6a: {  	_ =	shalt  }
0x6b: {  	_ =	shalt  }
0x6c: {  	_ =	shalt  }
0x6d: {  	_ =	shalt  }
0x6e: {  	_ =	shalt  }
0x6f: {  	_ =	shalt  }
0x70: {  	_ =	shalt  }
0x71: {  	_ =	shalt  }
0x72: {  	_ =	shalt  }
0x73: {  	_ =	shalt  }
0x74: {  	_ =	shalt  }
0x75: {  	_ =	shalt  }
0x76: {  	_ =	shalt  }
0x77: {  	_ =	shalt  }
0x78: {  	_ =	shalt  }
0x79: {  	_ =	shalt  }
0x7a: {  	_ =	shalt  }
0x7b: {  	_ =	shalt  }
0x7c: {  	_ =	shalt  }
0x7d: {  	_ =	shalt  }
0x7e: {  	_ =	shalt  }
0x7f: {  	_ =	shalt  }
0x80: {  	_ =	shalt  }
0x81: {  	_ =	shalt  }
0x82: {  	_ =	shalt  }
0x83: {  	_ =	shalt  }
0x84: {  	_ =	shalt  }
0x85: {  	_ =	shalt  }
0x86: {  	_ =	shalt  }
0x87: {  	_ =	shalt  }
.Lfunc_end0:
.L_simem_size_0:
called_computation_lowered:
.L_overlay_start_0:
0x88: {  	s2 =	sld [smem:$0x3FD9]  }
0x89: {  	s3 =	sld [smem:$0x3FFE];
	_ =	sdelay $0x1  }
0x8a: {  	s1 =	srdreg.scid  }
0x8b: {  	s0 =	sand.u32 $0x1, s1  }
0x8c: {  	s17 =	sshll.u32 s0, $0xA;
	s2 =	sadd.s32 s3, s2  }
0x8d: {  	s2 =	sadd.s32 s2, s17  }
0x8e: {  	[smem:$0x3FC6] =	sst s2  }
0x8f: {  	_ = 	snop  }
0x90: {  	s2 =	sld [smem:$0x3FC9]  }
0x91: {  	s18 =	sld [smem:$0x3FD0];
	(tm) =	ssettm $0x1  }
0x92: {  	s4 =	sld [smem:$0x3FFB];
	_ =	sdelay $0x3  }
0x93: {  	_ =	strace s4  }
0x94: {  	s4 =	sld [smem:$0x3FFC];
	_ =	sdelay $0x3  }
0x95: {  	_ =	strace s4  }
0x96: {  	s4 =	sld [smem:$0x3FFD];
	_ =	sdelay $0x3  }
0x97: {  	_ =	strace s4  }
0x98: {  	_ =	strace $0x8FFFFFFF  }
0x99: {  	s19 =	sld [smem:$0x3FDB];
	_ =	sdelay $0x1  }
0x9a: {  	s5 =	simm.s32 $_scs_section_size  }
0x9b: {  	s6 =	simm.s32 $_size__tile_overlayer_lowered;
	s7 =	simm.s32 $_tile_overlayer_lowered  }
0x9c: {  	s22 =	simm.s32 $0x1BFF;
	s21 =	sshll.u32 s7, $0x1;
	s4 =	sadd.s32 s5, s19  }
0x9d: {  	s8 =	simm.s32 $0x0;
	s20 =	sshll.u32 s6, $0x1;
	s6 =	sadd.s32 s21, s4  }
0x9e: {  	[timem:s8], [sflag:s22] =	dma.local [hbm:s6], s20  }
0x9f: {  	_ =	swait.ge [sflag:s22], s20  }
0xa0: {  	s5 =	ssub.s32 $0x0, s20;
	[sflag:s22] =	ssyncset.done $0x0  }
0xa1: {  	[sflag:s22] =	ssyncadd.s32 s5;
	_ =	sdelay $0x1  }
0xa2: {  	s23 =	simm.s32 $0x1B8B  }
0xa3: {  	_ =	swait.ge [sflag:s23], $0x1  }
0xa4: {  	[sflag:s23] =	ssyncset.done $0x0  }
0xa5: {  	s25 =	simm.s32 $0x1B8E;
	s24 =	sld [smem:$0x3FFE];
	[sflag:s23] =	ssyncadd.s32 $0xFFFFFFFF  }
0xa6: {  	s26 =	simm.s32 $execute0_lowered;
	[smem:$0x3FD2] =	sst s25  }
0xa7: {  	s6 =	sshll.u32 s26, $0x1;
	_ =	strace $0x80000046;
	[dreg:$0x1] =	wrdreg $0xFFFFFFFF  }
0xa8: {  	s28 =	simm.s32 $_size_execute0_lowered;
	s4 =	sadd.s32 s4, s6;
	[dreg:$0x0] =	wrdreg $0x0  }
0xa9: {  	s6 =	sshll.u32 s28, $0x1;
	[dreg:$0x2] =	wrdreg s4  }
0xaa: {  	[dreg:$0x3] =	wrdreg s6  }
0xab: {  	[dreg:$0x4] =	wrdreg $0xC0  }
0xac: {  	_ =	task [dreg:s8], $0x5FFFF  }
0xad: {  	[dreg:$0x1] =	wrdreg $0xFFFFFFFF  }
0xae: {  	[dreg:$0x0] =	wrdreg $0x60  }
0xaf: {  	[dreg:$0x2] =	wrdreg s2  }
0xb0: {  	[dreg:$0x3] =	wrdreg s24  }
0xb1: {  	[dreg:$0x4] =	wrdreg s18  }
0xb2: {  	[dreg:$0x5] =	wrdreg $0x9  }
0xb3: {  	_ =	task.clear_ibuf [dreg:s8], $0x6FFFF;
	_ =	strace $0x90000046  }
0xb4: {  	s29 =	simm.s32 $0x9;
	_ =	strace $0x80000048  }
0xb5: {  	_ =	swait.ge [sflag:s29], $0x1  }
0xb6: {  	[sflag:s29] =	ssyncadd.s32 $0xFFFFFFFF  }
0xb7: {  	_ =	strace $0x90000048  }
0xb8: {  	_ =	sfence  }
0xb9: {  	s30 =	sld [smem:$0x0];
	_ =	sdelay $0x2  }
0xba: {  	s31 =	sshll.u32 s1, $0xD;
	s1 =	sshrl.u32 s1, $0x2  }
0xbb: {  	s3 =	sand.u32 $0x4000, s31;
	s1 =	sadd.s32 s1, s30  }
0xbc: {  	s0 =	sor.u32 s3, s0;
	s1 =	sshll.u32 s1, $0x11  }
0xbd: {  	s0 =	sor.u32 s1, s0  }
0xbe: {  	s0 =	sadd.s32 $0x8F2B, s0  }
0xbf: {  	[sflag:s0] =	ssyncadd.remote.s32 $0x1  }
0xc0: {  	_ =	sfence.sel $0xFFFF  }
0xc1: {  	[dreg:$0x0] =	wrdreg $0xFFFFFFFF;
	(pc) =	sbr.abs _section_cstart, $3  }
0xc2: {  	[dreg:$0x1] =	wrdreg $0xFFFFFFFF  }
0xc3: {  	_ =	task.clear_ibuf [dreg:s8], $0x2FFFF;
	_ =	strace $0x9FFFFFFF  }
0xc4: {  	(tm) =	ssettm $0x7FFFFFFF  }
0xc5: {  	_ =	shalt  }
tec
execute0_lowered:
.L_overlay_start_1:
0x0: {  	(tag) =	ssettag $0x1  }
0x1: {  	s1 =	rddreg [dreg:$0x0]  }
0x2: {  	s3 =	rddreg [dreg:$0x1]  }
0x3: {  	s0 =	rddreg [dreg:$0x2];
	s2 =	srdreg.scid  }
0x4: {  	s5 =	stileid.u32;
	s4 =	simm.s32 $0x0;
	s12 =	simm.s32 $0x4  }
0x5: {  	s13 =	simm.s32 $0x1;
	s14 =	simm.s32 $0x2000;
	s16 =	simm.s32 $0x3000  }
0x6: {  	s17 =	simm.s32 $0x3800;
	s18 =	simm.s32 $0x4000;
	s19 =	simm.s32 $0x4800  }
0x7: {  	s20 =	simm.s32 $0x5000;
	s21 =	simm.s32 $0x5800;
	s22 =	simm.s32 $0x6000  }
0x8: {  	s23 =	simm.s32 $0x6800;
	s24 =	simm.s32 $0x7000;
	s25 =	simm.s32 $0x7800  }
0x9: {  	s28 =	simm.s32 $0x8800;
	s29 =	simm.s32 $0x9000;
	s30 =	simm.s32 $0x9800  }
0xa: {  	s2 =	sand.u32 $0x1, s2;
	s5 =	sshll.u32 s5, $0x1;
	[smem:$0x7FF] =	sst s4  }
0xb: {  	s6 =	ssub.s32 $0x2, s2;
	s2 =	sor.u32 s2, s5;
	_ =	strace $0x80000047  }
.Ltmp0:
0xc: {  	s26 =	sshrl.u32 s6, $0x1;
	s7 =	sshll.u32 s2, $0xE;
	(pc) =	sbr.rel .LBB2_1-.Ltmp0, $4  }
0xd: {  	s5 =	sshll.u32 s2, $0x7;
	s9 =	ssub.s32 s6, s26;
	s6 =	sadd.s32 s0, s7  }
0xe: {  	v0 =	vlaneseq.u32;
	s2 =	simm.s32 $0x2;
	s7 =	sadd.s32 $0x100, s1;
	s0 =	sadd.s32 $0x2000, s6  }
0xf: {  	vm0 =	vmmov $0xffff;
	v2 =	vshrl.u32 v0, $0x3;
	s26 =	simm.s32 $0x8000;
	s31 =	sadd.s32 $0x3000, s6;
	[dreg:$0x4] =	wrdreg s0  }
0x10: {  	v1 =	vand.u32 $0x7, v0;
	v3 =	vor.u32 $0x8, v0;
	v2 =	vmul.u32 $0x8, v2;
	s8 =	sadd.s32 $0x1000, s6;
	s11 =	smax.u32 s9, $0x1;
	[dreg:$0x5] =	wrdreg s31  }
.LBB2_15:
0x11: {  	_ =	swait.ge [sflag:s9], $0x8000  }
0x12: {  	[sflag:s9] =	ssyncset.done $0x0  }
0x13: {  	[sflag:s9] =	ssyncadd.s32 $0xFFFF8000  }
0x14: {  	[hbm4b:s31+s4] =	stream.linear.scatter [tilespmem:s0], [sflag:$0x4], $0x8000, $0x38;
	[tilespmem:$0x1A000] =	vst v63  }
0x15: {  	_ =	swait.ge [sflag:s12], $0x8000  }
0x16: {  	[sflag:s12] =	ssyncset.done $0x0  }
0x17: {  	[sflag:s12] =	ssyncadd.s32 $0xFFFF8000  }
.LBB2_16:
0x18: {  	s11 =	sadd.s32 $0xFFFFFFFF, s11  }
0x19: {  	p0 =	sne.s32 s11, $0x0  }
.Ltmp1:
0x1a: {  	_ = 	snop;
	(pc) =	sbr.rel @!p0 .LBB2_17-.Ltmp1, $1  }
0x1b: {  	_ =	sdelay $0x3  }
.LBB2_1:
0x1c: {  	[tilespmem:s4], [sflag:$0x4] =	stream.linear.gather [hbm4b:s3+s4], $0x2000, $0x38;
	[tilespmem:$0x1A000] =	vst v63  }
0x1d: {  	_ =	swait.ge [sflag:s12], $0x2000  }
0x1e: {  	[sflag:s12] =	ssyncset.done $0x0  }
0x1f: {  	[sflag:s12] =	ssyncadd.s32 $0xFFFFE000  }
0x20: {  	v4 =	vld [tilespmem:s5+$0x0]  }
0x21: {  	v5 =	vld [tilespmem:s5+$0x1000];
	_ =	sdelay $0x3  }
0x22: {  	(v2sf) =	vpush v4, $0x0  }
0x23: {  	(v2sf) =	vpush v5, $0x0;
	_ =	sdelay $0xd  }
0x24: {  	s31 =	spop (v2sf)  }
0x25: {  	s0 =	spop (v2sf)  }
0x26: {  	s0 =	sadd.s32 $0x3F, s0  }
0x27: {  	s9 =	sand.u32 $0x3F, s0  }
0x28: {  	s15 =	sshra.s32 s0, $0x1F;
	p1 =	slt.s32 s0, $0x1;
	p0 =	sne.s32 s9, $0x0  }
0x29: {  	s9 =	sshrl.u32 s15, $0x1A;
	p0 =	por !p1, !p0  }
0x2a: {  	s0 =	sadd.s32 s9, s0;
	s9 =	simm.s32 $0x1;
	p0 =	por !p0, !p0  }
0x2b: {  	s0 =	sshra.s32 s0, $0x6;
	s9 =	simm.s32 @!p0 $0x0  }
0x2c: {  	s0 =	ssub.s32 s0, s9  }
0x2d: {  	p0 =	slt.s32 s0, $0x1  }
.Ltmp2:
0x2e: {  	_ = 	snop;
	(pc) =	sbr.rel @p0 .LBB2_16-.Ltmp2, $1  }
0x2f: {  	_ =	sdelay $0x3  }
0x30: {  	v4 =	vbroadcast v4, $0x0;
	_ =	sdelay $0x1  }
0x31: {  	v4 =	vadd.s32 v0, v4  }
0x32: {  	vm1 =	vlt.s32 v4, $0x338F  }
0x33: {  	v4 =	vnsel vm1, $0x338F, v4  }
0x34: {  	v5 =	vshll.u32 v4, $0x2  }
0x35: {  	v4 =	vand.u32 $0x7, v4;
	v5 =	vand.u32 $0xFFFFFFE0, v5  }
0x36: {  	v4 =	vor.u32 v4, v5  }
0x37: {  	v5 =	vperm.xlane v4, v1;
	_ =	sdelay $0x1  }
0x38: {  	s9 =	sadd.s32 $0x10, s31;
	v5 =	vadd.s32 v2, v5  }
0x39: {  	v6 =	vadd.s32 s9, v0  }
0x3a: {  	vm1 =	vlt.s32 v6, $0x338F  }
0x3b: {  	v6 =	vnsel vm1, $0x338F, v6;
	v4 =	vperm.xlane v4, v3  }
0x3c: {  	v7 =	vshll.u32 v6, $0x2  }
0x3d: {  	v6 =	vand.u32 $0x7, v6;
	v7 =	vand.u32 $0xFFFFFFE0, v7;
	v4 =	vadd.s32 v2, v4;
	[tilespmem:s14], [sflag:$0x1] =	stream.indirect_vreg.gather [hbm4b:s1+s4], $0x80, v5, vm0, $0xb8;
	[tilespmem:$0x1A000] =	vst v63  }
0x3e: {  	s15 =	simm.s32 $0x2800;
	v6 =	vor.u32 v6, v7  }
0x3f: {  	[tilespmem:s15], [sflag:$0x1] =	stream.indirect_vreg.gather [hbm4b:s7+s4], $0x80, v5, vm0, $0xb8;
	v5 =	vperm.xlane v6, v1;
	[tilespmem:$0x1A000] =	vst v63  }
0x40: {  	s10 =	sadd.s32 $0x20, s31  }
0x41: {  	v61 =	vadd.s32 s10, v0;
	v5 =	vadd.s32 v2, v5  }
0x42: {  	vm1 =	vlt.s32 v61, $0x338F;
	[tilespmem:s16], [sflag:$0x1] =	stream.indirect_vreg.gather [hbm4b:s1+s4], $0x80, v4, vm0, $0xb8;
	[tilespmem:$0x1A000] =	vst v63  }
0x43: {  	v7 =	vnsel vm1, $0x338F, v61;
	v6 =	vperm.xlane v6, v3  }
0x44: {  	[tilespmem:s17], [sflag:$0x1] =	stream.indirect_vreg.gather [hbm4b:s7+s4], $0x80, v4, vm0, $0xb8;
	v4 =	vshll.u32 v7, $0x2;
	[tilespmem:$0x1A000] =	vst v63  }
0x45: {  	v6 =	vadd.s32 v2, v6;
	v7 =	vand.u32 $0x7, v7;
	v4 =	vand.u32 $0xFFFFFFE0, v4  }
0x46: {  	v4 =	vor.u32 v7, v4;
	[tilespmem:s18], [sflag:$0x1] =	stream.indirect_vreg.gather [hbm4b:s1+s4], $0x80, v5, vm0, $0xb8;
	[tilespmem:$0x1A000] =	vst v63  }
0x47: {  	v7 =	vperm.xlane v4, v1  }
0x48: {  	[tilespmem:s19], [sflag:$0x1] =	stream.indirect_vreg.gather [hbm4b:s7+s4], $0x80, v5, vm0, $0xb8;
	[tilespmem:$0x1A000] =	vst v63  }
0x49: {  	s15 =	sadd.s32 $0x30, s31;
	v5 =	vadd.s32 v2, v7  }
0x4a: {  	v62 =	vadd.s32 s15, v0;
	[tilespmem:s20], [sflag:$0x1] =	stream.indirect_vreg.gather [hbm4b:s1+s4], $0x80, v6, vm0, $0xb8;
	[tilespmem:$0x1A000] =	vst v63  }
0x4b: {  	vm1 =	vlt.s32 v62, $0x338F  }
0x4c: {  	v63 =	vnsel vm1, $0x338F, v62;
	v4 =	vperm.xlane v4, v3;
	[tilespmem:s21], [sflag:$0x1] =	stream.indirect_vreg.gather [hbm4b:s7+s4], $0x80, v6, vm0, $0xb8;
	[tilespmem:$0x1A000] =	vst v63  }
0x4d: {  	v7 =	vshll.u32 v63, $0x2  }
0x4e: {  	v4 =	vadd.s32 v2, v4;
	v7 =	vand.u32 $0xFFFFFFE0, v7;
	v6 =	vand.u32 $0x7, v63;
	[tilespmem:s22], [sflag:$0x1] =	stream.indirect_vreg.gather [hbm4b:s1+s4], $0x80, v5, vm0, $0xb8;
	[tilespmem:$0x1A000] =	vst v63  }
0x4f: {  	v6 =	vor.u32 v6, v7  }
0x50: {  	[tilespmem:s23], [sflag:$0x1] =	stream.indirect_vreg.gather [hbm4b:s7+s4], $0x80, v5, vm0, $0xb8;
	v5 =	vperm.xlane v6, v1;
	[tilespmem:$0x1A000] =	vst v63  }
0x51: {  	p0 =	seq.s32 s0, $0x1  }
0x52: {  	s9 =	sadd.s32 @!p0 $0x40, s31;
	v7 =	vlaneseq.u32 @!p0;
	v5 =	vadd.s32 v2, v5  }
0x53: {  	v8 =	vadd.s32 @!p0 s9, v7;
	[tilespmem:s24], [sflag:$0x1] =	stream.indirect_vreg.gather [hbm4b:s1+s4], $0x80, v4, vm0, $0xb8;
	[tilespmem:$0x1A000] =	vst v63  }
0x54: {  	vm1 =	vlt.s32 @!p0 v8, $0x338F  }
0x55: {  	[tilespmem:s25], [sflag:$0x1] =	stream.indirect_vreg.gather [hbm4b:s7+s4], $0x80, v4, vm0, $0xb8;
	v4 =	vperm.xlane v6, v3;
	v6 =	vnsel @!p0 vm1, $0x338F, v8;
	[tilespmem:$0x1A000] =	vst v63  }
0x56: {  	v8 =	vshll.u32 @!p0 v6, $0x2  }
0x57: {  	v6 =	vand.u32 @!p0 $0x7, v6;
	v4 =	vadd.s32 v2, v4;
	v8 =	vand.u32 @!p0 $0xFFFFFFE0, v8;
	[tilespmem:s26], [sflag:$0x1] =	stream.indirect_vreg.gather [hbm4b:s1+s4], $0x80, v5, vm0, $0xb8;
	[tilespmem:$0x1A000] =	vst v63  }
0x58: {  	v9 =	vshrl.u32 @!p0 v7, $0x3;
	v6 =	vor.u32 @!p0 v6, v8;
	v8 =	vand.u32 @!p0 $0x7, v7  }
0x59: {  	v9 =	vmul.u32 @!p0 $0x8, v9;
	[tilespmem:s28], [sflag:$0x1] =	stream.indirect_vreg.gather [hbm4b:s7+s4], $0x80, v5, vm0, $0xb8;
	v5 =	vperm.xlane @!p0 v6, v8;
	[tilespmem:$0x1A000] =	vst v63  }
0x5a: {  	s9 =	sadd.s32 @!p0 $0x50, s31  }
0x5b: {  	v10 =	vadd.s32 @!p0 s9, v7;
	v5 =	vadd.s32 @!p0 v9, v5  }
0x5c: {  	v11 =	vor.u32 @!p0 $0x8, v7;
	vm1 =	vlt.s32 @!p0 v10, $0x338F;
	[tilespmem:s29], [sflag:$0x1] =	stream.indirect_vreg.gather [hbm4b:s1+s4], $0x80, v4, vm0, $0xb8;
	[tilespmem:$0x1A000] =	vst v63  }
0x5d: {  	v10 =	vnsel @!p0 vm1, $0x338F, v10;
	v6 =	vperm.xlane @!p0 v6, v11  }
0x5e: {  	vm1 =	vmmov @!p0 $0xffff;
	[tilespmem:s30], [sflag:$0x1] =	stream.indirect_vreg.gather [hbm4b:s7+s4], $0x80, v4, vm0, $0xb8;
	v4 =	vshll.u32 @!p0 v10, $0x2;
	[tilespmem:$0x1A000] =	vst v63  }
0x5f: {  	s10 =	simm.s32 @!p0 $0xA000;
	s9 =	simm.s32 @!p0 $0x0;
	v6 =	vadd.s32 @!p0 v9, v6;
	v10 =	vand.u32 @!p0 $0x7, v10;
	v4 =	vand.u32 @!p0 $0xFFFFFFE0, v4  }
0x60: {  	v4 =	vor.u32 @!p0 v10, v4;
	[tilespmem:s10], [sflag:$0x2] =	stream.indirect_vreg.gather @!p0 [hbm4b:s1+s9], $0x80, v5, vm1, $0xb8;
	[tilespmem:$0x1A000] =	vst v63  }
0x61: {  	s10 =	simm.s32 @!p0 $0xA800;
	v10 =	vperm.xlane @!p0 v4, v8  }
0x62: {  	[tilespmem:s10], [sflag:$0x2] =	stream.indirect_vreg.gather @!p0 [hbm4b:s7+s9], $0x80, v5, vm1, $0xb8;
	[tilespmem:$0x1A000] =	vst v63  }
0x63: {  	s15 =	sadd.s32 @!p0 $0x60, s31;
	s10 =	simm.s32 @!p0 $0xB000;
	v5 =	vadd.s32 @!p0 v9, v10  }
0x64: {  	v10 =	vadd.s32 @!p0 s15, v7;
	[tilespmem:s10], [sflag:$0x2] =	stream.indirect_vreg.gather @!p0 [hbm4b:s1+s9], $0x80, v6, vm1, $0xb8;
	[tilespmem:$0x1A000] =	vst v63  }
0x65: {  	vm2 =	vlt.s32 @!p0 v10, $0x338F;
	s10 =	simm.s32 @!p0 $0xB800  }
0x66: {  	v4 =	vperm.xlane @!p0 v4, v11;
	[tilespmem:s10], [sflag:$0x2] =	stream.indirect_vreg.gather @!p0 [hbm4b:s7+s9], $0x80, v6, vm1, $0xb8;
	v6 =	vnsel @!p0 vm2, $0x338F, v10;
	[tilespmem:$0x1A000] =	vst v63  }
0x67: {  	s10 =	simm.s32 @!p0 $0xC000;
	v10 =	vshll.u32 @!p0 v6, $0x2  }
0x68: {  	v4 =	vadd.s32 @!p0 v9, v4;
	v6 =	vand.u32 @!p0 $0x7, v6;
	[tilespmem:s10], [sflag:$0x2] =	stream.indirect_vreg.gather @!p0 [hbm4b:s1+s9], $0x80, v5, vm1, $0xb8;
	v10 =	vand.u32 @!p0 $0xFFFFFFE0, v10;
	[tilespmem:$0x1A000] =	vst v63  }
0x69: {  	s10 =	simm.s32 @!p0 $0xC800;
	v6 =	vor.u32 @!p0 v6, v10  }
0x6a: {  	[tilespmem:s10], [sflag:$0x2] =	stream.indirect_vreg.gather @!p0 [hbm4b:s7+s9], $0x80, v5, vm1, $0xb8;
	v5 =	vperm.xlane @!p0 v6, v8;
	[tilespmem:$0x1A000] =	vst v63  }
0x6b: {  	s10 =	sadd.s32 @!p0 $0x70, s31  }
0x6c: {  	v7 =	vadd.s32 @!p0 s10, v7;
	s10 =	simm.s32 @!p0 $0xD000;
	v5 =	vadd.s32 @!p0 v9, v5  }
0x6d: {  	[tilespmem:s10], [sflag:$0x2] =	stream.indirect_vreg.gather @!p0 [hbm4b:s1+s9], $0x80, v4, vm1, $0xb8;
	vm2 =	vlt.s32 @!p0 v7, $0x338F;
	[tilespmem:$0x1A000] =	vst v63  }
0x6e: {  	v6 =	vperm.xlane @!p0 v6, v11;
	s10 =	simm.s32 @!p0 $0xD800;
	v7 =	vnsel @!p0 vm2, $0x338F, v7  }
0x6f: {  	[tilespmem:s10], [sflag:$0x2] =	stream.indirect_vreg.gather @!p0 [hbm4b:s7+s9], $0x80, v4, vm1, $0xb8;
	v4 =	vshll.u32 @!p0 v7, $0x2;
	[tilespmem:$0x1A000] =	vst v63  }
0x70: {  	v6 =	vadd.s32 @!p0 v9, v6;
	s10 =	simm.s32 @!p0 $0xE000;
	v7 =	vand.u32 @!p0 $0x7, v7;
	v4 =	vand.u32 @!p0 $0xFFFFFFE0, v4  }
0x71: {  	v4 =	vor.u32 @!p0 v7, v4;
	[tilespmem:s10], [sflag:$0x2] =	stream.indirect_vreg.gather @!p0 [hbm4b:s1+s9], $0x80, v5, vm1, $0xb8;
	[tilespmem:$0x1A000] =	vst v63  }
0x72: {  	s10 =	simm.s32 @!p0 $0xE800;
	v7 =	vperm.xlane @!p0 v4, v8  }
0x73: {  	[tilespmem:s10], [sflag:$0x2] =	stream.indirect_vreg.gather @!p0 [hbm4b:s7+s9], $0x80, v5, vm1, $0xb8;
	[tilespmem:$0x1A000] =	vst v63  }
0x74: {  	s10 =	simm.s32 @!p0 $0xF000;
	v5 =	vadd.s32 @!p0 v9, v7  }
0x75: {  	[tilespmem:s10], [sflag:$0x2] =	stream.indirect_vreg.gather @!p0 [hbm4b:s1+s9], $0x80, v6, vm1, $0xb8;
	[tilespmem:$0x1A000] =	vst v63  }
0x76: {  	s10 =	simm.s32 @!p0 $0xF800  }
0x77: {  	v4 =	vperm.xlane @!p0 v4, v11;
	[tilespmem:s10], [sflag:$0x2] =	stream.indirect_vreg.gather @!p0 [hbm4b:s7+s9], $0x80, v6, vm1, $0xb8;
	[tilespmem:$0x1A000] =	vst v63  }
0x78: {  	p1 =	slt.u32 @!p0 s0, $0x3;
	s10 =	simm.s32 @!p0 $0x10000  }
0x79: {  	v4 =	vadd.s32 @!p0 v9, v4;
	[tilespmem:s10], [sflag:$0x2] =	stream.indirect_vreg.gather @!p0 [hbm4b:s1+s9], $0x80, v5, vm1, $0xb8;
	[tilespmem:$0x1A000] =	vst v63  }
0x7a: {  	p1 =	por p0, p1;
	s10 =	simm.s32 @!p0 $0x10800  }
0x7b: {  	[tilespmem:s10], [sflag:$0x2] =	stream.indirect_vreg.gather @!p0 [hbm4b:s7+s9], $0x80, v5, vm1, $0xb8;
	[tilespmem:$0x1A000] =	vst v63  }
.Ltmp3:
0x7c: {  	_ = 	snop;
	(pc) =	sbr.rel @p1 .LBB2_3-.Ltmp3, $4  }
0x7d: {  	s10 =	simm.s32 @!p0 $0x11000  }
0x7e: {  	[tilespmem:s10], [sflag:$0x2] =	stream.indirect_vreg.gather @!p0 [hbm4b:s1+s9], $0x80, v4, vm1, $0xb8;
	[tilespmem:$0x1A000] =	vst v63  }
0x7f: {  	s10 =	simm.s32 @!p0 $0x11800  }
0x80: {  	[tilespmem:s10], [sflag:$0x2] =	stream.indirect_vreg.gather @!p0 [hbm4b:s7+s9], $0x80, v4, vm1, $0xb8;
	[tilespmem:$0x1A000] =	vst v63  }
0x81: {  	s9 =	sadd.s32 $0x80, s31  }
0x82: {  	v4 =	vadd.s32 s9, v0  }
0x83: {  	vm1 =	vlt.s32 v4, $0x338F  }
0x84: {  	v4 =	vnsel vm1, $0x338F, v4  }
0x85: {  	v5 =	vshll.u32 v4, $0x2  }
0x86: {  	v4 =	vand.u32 $0x7, v4;
	v5 =	vand.u32 $0xFFFFFFE0, v5  }
0x87: {  	v4 =	vor.u32 v4, v5  }
0x88: {  	v5 =	vperm.xlane v4, v1  }
0x89: {  	s10 =	sadd.s32 $0x90, s31  }
0x8a: {  	v6 =	vadd.s32 s10, v0;
	v5 =	vadd.s32 v2, v5  }
0x8b: {  	vm1 =	vlt.s32 v6, $0x338F  }
0x8c: {  	v6 =	vnsel vm1, $0x338F, v6;
	v4 =	vperm.xlane v4, v3  }
0x8d: {  	v7 =	vshll.u32 v6, $0x2  }
0x8e: {  	s15 =	simm.s32 $0x12000;
	v6 =	vand.u32 $0x7, v6;
	v7 =	vand.u32 $0xFFFFFFE0, v7;
	v4 =	vadd.s32 v2, v4  }
0x8f: {  	v6 =	vor.u32 v6, v7;
	[tilespmem:s15], [sflag:$0x3] =	stream.indirect_vreg.gather [hbm4b:s1+s4], $0x80, v5, vm0, $0xb8;
	[tilespmem:$0x1A000] =	vst v63  }
0x90: {  	s10 =	simm.s32 $0x12800;
	v7 =	vperm.xlane v6, v1  }
0x91: {  	[tilespmem:s10], [sflag:$0x3] =	stream.indirect_vreg.gather [hbm4b:s7+s4], $0x80, v5, vm0, $0xb8;
	[tilespmem:$0x1A000] =	vst v63  }
0x92: {  	s15 =	sadd.s32 $0xA0, s31;
	v5 =	vadd.s32 v2, v7;
	s10 =	simm.s32 $0x13000  }
0x93: {  	v61 =	vadd.s32 s15, v0;
	[tilespmem:s10], [sflag:$0x3] =	stream.indirect_vreg.gather [hbm4b:s1+s4], $0x80, v4, vm0, $0xb8;
	[tilespmem:$0x1A000] =	vst v63  }
0x94: {  	vm1 =	vlt.s32 v61, $0x338F;
	s10 =	simm.s32 $0x13800  }
0x95: {  	v62 =	vnsel vm1, $0x338F, v61;
	[tilespmem:s10], [sflag:$0x3] =	stream.indirect_vreg.gather [hbm4b:s7+s4], $0x80, v4, vm0, $0xb8;
	v4 =	vperm.xlane v6, v3;
	[tilespmem:$0x1A000] =	vst v63  }
0x96: {  	s15 =	simm.s32 $0x14000;
	v7 =	vshll.u32 v62, $0x2  }
0x97: {  	v7 =	vand.u32 $0xFFFFFFE0, v7;
	v6 =	vand.u32 $0x7, v62;
	[tilespmem:s15], [sflag:$0x3] =	stream.indirect_vreg.gather [hbm4b:s1+s4], $0x80, v5, vm0, $0xb8;
	v4 =	vadd.s32 v2, v4;
	[tilespmem:$0x1A000] =	vst v63  }
0x98: {  	s10 =	simm.s32 $0x14800;
	v6 =	vor.u32 v6, v7  }
0x99: {  	[tilespmem:s10], [sflag:$0x3] =	stream.indirect_vreg.gather [hbm4b:s7+s4], $0x80, v5, vm0, $0xb8;
	v5 =	vperm.xlane v6, v1;
	[tilespmem:$0x1A000] =	vst v63  }
0x9a: {  	s15 =	sadd.s32 $0xB0, s31  }
0x9b: {  	v63 =	vadd.s32 s15, v0;
	s10 =	simm.s32 $0x15000;
	v5 =	vadd.s32 v2, v5  }
0x9c: {  	vm1 =	vlt.s32 v63, $0x338F;
	[tilespmem:s10], [sflag:$0x3] =	stream.indirect_vreg.gather [hbm4b:s1+s4], $0x80, v4, vm0, $0xb8;
	[tilespmem:$0x1A000] =	vst v63  }
0x9d: {  	s15 =	simm.s32 $0x15800;
	v6 =	vperm.xlane v6, v3;
	v7 =	vnsel vm1, $0x338F, v63  }
0x9e: {  	[tilespmem:s15], [sflag:$0x3] =	stream.indirect_vreg.gather [hbm4b:s7+s4], $0x80, v4, vm0, $0xb8;
	v4 =	vshll.u32 v7, $0x2;
	[tilespmem:$0x1A000] =	vst v63  }
0x9f: {  	v6 =	vadd.s32 v2, v6;
	s10 =	simm.s32 $0x16000;
	v7 =	vand.u32 $0x7, v7;
	v4 =	vand.u32 $0xFFFFFFE0, v4  }
0xa0: {  	[tilespmem:s10], [sflag:$0x3] =	stream.indirect_vreg.gather [hbm4b:s1+s4], $0x80, v5, vm0, $0xb8;
	v4 =	vor.u32 v7, v4;
	[tilespmem:$0x1A000] =	vst v63  }
0xa1: {  	s15 =	simm.s32 $0x16800;
	v7 =	vperm.xlane v4, v1  }
0xa2: {  	[tilespmem:s15], [sflag:$0x3] =	stream.indirect_vreg.gather [hbm4b:s7+s4], $0x80, v5, vm0, $0xb8;
	[tilespmem:$0x1A000] =	vst v63  }
0xa3: {  	s10 =	simm.s32 $0x17000;
	v5 =	vadd.s32 v2, v7  }
0xa4: {  	[tilespmem:s10], [sflag:$0x3] =	stream.indirect_vreg.gather [hbm4b:s1+s4], $0x80, v6, vm0, $0xb8;
	[tilespmem:$0x1A000] =	vst v63  }
0xa5: {  	s15 =	simm.s32 $0x17800  }
0xa6: {  	v4 =	vperm.xlane v4, v3;
	[tilespmem:s15], [sflag:$0x3] =	stream.indirect_vreg.gather [hbm4b:s7+s4], $0x80, v6, vm0, $0xb8;
	[tilespmem:$0x1A000] =	vst v63  }
0xa7: {  	s10 =	simm.s32 $0x18000  }
0xa8: {  	v4 =	vadd.s32 v2, v4;
	[tilespmem:s10], [sflag:$0x3] =	stream.indirect_vreg.gather [hbm4b:s1+s4], $0x80, v5, vm0, $0xb8;
	[tilespmem:$0x1A000] =	vst v63  }
0xa9: {  	s15 =	simm.s32 $0x18800  }
0xaa: {  	[tilespmem:s15], [sflag:$0x3] =	stream.indirect_vreg.gather [hbm4b:s7+s4], $0x80, v5, vm0, $0xb8;
	[tilespmem:$0x1A000] =	vst v63  }
.Ltmp4:
0xab: {  	_ = 	snop;
	(pc) =	sbr.rel .LBB2_5-.Ltmp4, $4  }
0xac: {  	s10 =	simm.s32 $0x19000  }
0xad: {  	[tilespmem:s10], [sflag:$0x3] =	stream.indirect_vreg.gather [hbm4b:s1+s4], $0x80, v4, vm0, $0xb8;
	[tilespmem:$0x1A000] =	vst v63  }
0xae: {  	p1 =	por $0x1, $0x1;
	s15 =	simm.s32 $0x19800  }
0xaf: {  	[tilespmem:s15], [sflag:$0x3] =	stream.indirect_vreg.gather [hbm4b:s7+s4], $0x80, v4, vm0, $0xb8;
	[tilespmem:$0x1A000] =	vst v63  }
.LBB2_3:
0xb0: {  	p2 =	por @!p0 $0x0, $0x0;
	p1 =	por $0x0, $0x0  }
0xb1: {  	p1 =	por @!p0 p2, p2  }
.LBB2_5:
0xb2: {  	_ =	swait.ge [sflag:s13], $0x8000  }
0xb3: {  	p2 =	slt.u32 s0, $0x4;
	[sflag:s13] =	ssyncset.done $0x0  }
.Ltmp5:
0xb4: {  	[sflag:s13] =	ssyncadd.s32 $0xFFFF8000;
	(pc) =	sbr.rel @p2 .LBB2_7-.Ltmp5, $4  }
0xb5: {  	[hbm4b:s6+s4] =	stream.linear.scatter [tilespmem:s14], [sflag:$0x4], $0x8000, $0x38;
	[tilespmem:$0x1A000] =	vst v63  }
0xb6: {  	_ =	swait.ge [sflag:s12], $0x8000  }
0xb7: {  	[sflag:s12] =	ssyncset.done $0x0  }
0xb8: {  	[sflag:s12] =	ssyncadd.s32 $0xFFFF8000  }
0xb9: {  	s9 =	sadd.s32 $0xC0, s31  }
0xba: {  	v4 =	vadd.s32 s9, v0  }
0xbb: {  	vm1 =	vlt.s32 v4, $0x338F  }
0xbc: {  	v4 =	vnsel vm1, $0x338F, v4  }
0xbd: {  	v5 =	vshll.u32 v4, $0x2  }
0xbe: {  	v4 =	vand.u32 $0x7, v4;
	v5 =	vand.u32 $0xFFFFFFE0, v5  }
0xbf: {  	v4 =	vor.u32 v4, v5  }
0xc0: {  	v5 =	vperm.xlane v4, v1  }
0xc1: {  	s15 =	sadd.s32 $0xD0, s31  }
0xc2: {  	v6 =	vadd.s32 s15, v0;
	v5 =	vadd.s32 v2, v5  }
0xc3: {  	vm1 =	vlt.s32 v6, $0x338F  }
0xc4: {  	v6 =	vnsel vm1, $0x338F, v6;
	v4 =	vperm.xlane v4, v3  }
0xc5: {  	v7 =	vshll.u32 v6, $0x2  }
0xc6: {  	v6 =	vand.u32 $0x7, v6;
	v7 =	vand.u32 $0xFFFFFFE0, v7;
	v4 =	vadd.s32 v2, v4  }
0xc7: {  	v6 =	vor.u32 v6, v7;
	[tilespmem:s14], [sflag:$0x1] =	stream.indirect_vreg.gather [hbm4b:s1+s4], $0x80, v5, vm0, $0xb8;
	[tilespmem:$0x1A000] =	vst v63  }
0xc8: {  	s10 =	simm.s32 $0x2800;
	v7 =	vperm.xlane v6, v1  }
0xc9: {  	[tilespmem:s10], [sflag:$0x1] =	stream.indirect_vreg.gather [hbm4b:s7+s4], $0x80, v5, vm0, $0xb8;
	[tilespmem:$0x1A000] =	vst v63  }
0xca: {  	s15 =	sadd.s32 $0xE0, s31;
	v5 =	vadd.s32 v2, v7  }
0xcb: {  	v61 =	vadd.s32 s15, v0;
	[tilespmem:s16], [sflag:$0x1] =	stream.indirect_vreg.gather [hbm4b:s1+s4], $0x80, v4, vm0, $0xb8;
	[tilespmem:$0x1A000] =	vst v63  }
0xcc: {  	vm1 =	vlt.s32 v61, $0x338F  }
0xcd: {  	v62 =	vnsel vm1, $0x338F, v61;
	[tilespmem:s17], [sflag:$0x1] =	stream.indirect_vreg.gather [hbm4b:s7+s4], $0x80, v4, vm0, $0xb8;
	v4 =	vperm.xlane v6, v3;
	[tilespmem:$0x1A000] =	vst v63  }
0xce: {  	v7 =	vshll.u32 v62, $0x2  }
0xcf: {  	v7 =	vand.u32 $0xFFFFFFE0, v7;
	v6 =	vand.u32 $0x7, v62;
	[tilespmem:s18], [sflag:$0x1] =	stream.indirect_vreg.gather [hbm4b:s1+s4], $0x80, v5, vm0, $0xb8;
	v4 =	vadd.s32 v2, v4;
	[tilespmem:$0x1A000] =	vst v63  }
0xd0: {  	v6 =	vor.u32 v6, v7  }
0xd1: {  	[tilespmem:s19], [sflag:$0x1] =	stream.indirect_vreg.gather [hbm4b:s7+s4], $0x80, v5, vm0, $0xb8;
	v5 =	vperm.xlane v6, v1;
	[tilespmem:$0x1A000] =	vst v63  }
0xd2: {  	s31 =	sadd.s32 $0xF0, s31  }
0xd3: {  	v63 =	vadd.s32 s31, v0;
	v5 =	vadd.s32 v2, v5  }
0xd4: {  	vm1 =	vlt.s32 v63, $0x338F;
	[tilespmem:s20], [sflag:$0x1] =	stream.indirect_vreg.gather [hbm4b:s1+s4], $0x80, v4, vm0, $0xb8;
	[tilespmem:$0x1A000] =	vst v63  }
0xd5: {  	v7 =	vnsel vm1, $0x338F, v63;
	v6 =	vperm.xlane v6, v3  }
0xd6: {  	[tilespmem:s21], [sflag:$0x1] =	stream.indirect_vreg.gather [hbm4b:s7+s4], $0x80, v4, vm0, $0xb8;
	v4 =	vshll.u32 v7, $0x2;
	[tilespmem:$0x1A000] =	vst v63  }
0xd7: {  	v6 =	vadd.s32 v2, v6;
	v7 =	vand.u32 $0x7, v7;
	v4 =	vand.u32 $0xFFFFFFE0, v4  }
0xd8: {  	[tilespmem:s22], [sflag:$0x1] =	stream.indirect_vreg.gather [hbm4b:s1+s4], $0x80, v5, vm0, $0xb8;
	v4 =	vor.u32 v7, v4;
	[tilespmem:$0x1A000] =	vst v63  }
0xd9: {  	v7 =	vperm.xlane v4, v1  }
0xda: {  	[tilespmem:s23], [sflag:$0x1] =	stream.indirect_vreg.gather [hbm4b:s7+s4], $0x80, v5, vm0, $0xb8;
	[tilespmem:$0x1A000] =	vst v63  }
0xdb: {  	v5 =	vadd.s32 v2, v7  }
0xdc: {  	[tilespmem:s24], [sflag:$0x1] =	stream.indirect_vreg.gather [hbm4b:s1+s4], $0x80, v6, vm0, $0xb8;
	[tilespmem:$0x1A000] =	vst v63  }
0xdd: {  	_ = 	snop  }
0xde: {  	v4 =	vperm.xlane v4, v3;
	[tilespmem:s25], [sflag:$0x1] =	stream.indirect_vreg.gather [hbm4b:s7+s4], $0x80, v6, vm0, $0xb8;
	[tilespmem:$0x1A000] =	vst v63  }
0xdf: {  	_ = 	snop  }
0xe0: {  	v4 =	vadd.s32 v2, v4;
	[tilespmem:s26], [sflag:$0x1] =	stream.indirect_vreg.gather [hbm4b:s1+s4], $0x80, v5, vm0, $0xb8;
	[tilespmem:$0x1A000] =	vst v63  }
0xe1: {  	_ = 	snop  }
0xe2: {  	[tilespmem:s28], [sflag:$0x1] =	stream.indirect_vreg.gather [hbm4b:s7+s4], $0x80, v5, vm0, $0xb8;
	[tilespmem:$0x1A000] =	vst v63  }
.Ltmp6:
0xe3: {  	_ = 	snop;
	(pc) =	sbr.rel .LBB2_8-.Ltmp6, $4  }
0xe4: {  	_ = 	snop  }
0xe5: {  	[tilespmem:s29], [sflag:$0x1] =	stream.indirect_vreg.gather [hbm4b:s1+s4], $0x80, v4, vm0, $0xb8;
	[tilespmem:$0x1A000] =	vst v63  }
0xe6: {  	_ = 	snop  }
0xe7: {  	[tilespmem:s30], [sflag:$0x1] =	stream.indirect_vreg.gather [hbm4b:s7+s4], $0x80, v4, vm0, $0xb8;
	[tilespmem:$0x1A000] =	vst v63  }
.LBB2_7:
.Ltmp7:
0xe8: {  	(pc) =	sbr.rel @!p0 .LBB2_8-.Ltmp7, $1  }
0xe9: {  	_ =	sdelay $0x3  }
.Ltmp8:
0xea: {  	(pc) =	sbr.rel @!p1 .LBB2_16-.Ltmp8, $1  }
0xeb: {  	_ =	sdelay $0x3  }
.Ltmp9:
0xec: {  	(pc) =	sbr.rel .LBB2_15-.Ltmp9, $2  }
0xed: {  	_ =	sdelay $0x2  }
0xee: {  	s0 =	simm.s32 $0x12000;
	s9 =	simm.s32 $0x3;
	s31 =	rddreg [dreg:$0x4]  }
.LBB2_8:
0xef: {  	_ =	swait.ge [sflag:s2], $0x8000  }
0xf0: {  	[sflag:s2] =	ssyncset.done $0x0  }
.Ltmp10:
0xf1: {  	s9 =	simm.s32 $0xA000;
	[sflag:s2] =	ssyncadd.s32 $0xFFFF8000;
	(pc) =	sbr.rel @!p1 .LBB2_13-.Ltmp10, $4  }
0xf2: {  	[hbm4b:s8+s4] =	stream.linear.scatter [tilespmem:s9], [sflag:$0x4], $0x8000, $0x38;
	[tilespmem:$0x1A000] =	vst v63  }
0xf3: {  	_ =	swait.ge [sflag:s12], $0x8000  }
0xf4: {  	[sflag:s12] =	ssyncset.done $0x0  }
0xf5: {  	[sflag:s12] =	ssyncadd.s32 $0xFFFF8000  }
0xf6: {  	s9 =	simm.s32 $0x3  }
0xf7: {  	_ =	swait.ge [sflag:s9], $0x8000  }
0xf8: {  	s10 =	simm.s32 $0x12000;
	p0 =	sgt.u32 s0, $0x3;
	[sflag:s9] =	ssyncset.done $0x0  }
.Ltmp11:
0xf9: {  	s31 =	rddreg [dreg:$0x4];
	[sflag:s9] =	ssyncadd.s32 $0xFFFF8000;
	(pc) =	sbr.rel @!p0 .LBB2_16-.Ltmp11, $4  }
0xfa: {  	[hbm4b:s31+s4] =	stream.linear.scatter [tilespmem:s10], [sflag:$0x4], $0x8000, $0x38;
	[tilespmem:$0x1A000] =	vst v63  }
0xfb: {  	_ =	swait.ge [sflag:s12], $0x8000  }
0xfc: {  	[sflag:s12] =	ssyncset.done $0x0  }
0xfd: {  	[sflag:s12] =	ssyncadd.s32 $0xFFFF8000  }
.Ltmp12:
0xfe: {  	(pc) =	sbr.rel .LBB2_15-.Ltmp12, $2  }
0xff: {  	_ =	sdelay $0x2  }
0x100: {  	s0 =	simm.s32 $0x2000;
	s9 =	simm.s32 $0x1;
	s31 =	rddreg [dreg:$0x5]  }
.LBB2_13:
.Ltmp13:
0x101: {  	(pc) =	sbr.rel @p2 .LBB2_16-.Ltmp13, $1  }
0x102: {  	_ =	sdelay $0x3  }
.Ltmp14:
0x103: {  	(pc) =	sbr.rel .LBB2_15-.Ltmp14, $2  }
0x104: {  	_ =	sdelay $0x2  }
0x105: {  	s0 =	simm.s32 $0x2000;
	s9 =	simm.s32 $0x1;
	s31 =	rddreg [dreg:$0x5]  }
.LBB2_17:
0x106: {  	_ =	sfence.sel $0x180000  }
0x107: {  	[bflag:$0x0] =	sbarrier.arrive $0xFFFF  }
0x108: {  	_ =	strace $0x90000047  }
0x109: {  	s0 =	stileid.u32;
	[bflag:$0x2] =	sbarrier.arrive $0xFFFF  }
0x10a: {  	p0 =	sne.s32 s0, $0x0;
	s0 =	rddreg [dreg:$0x3]  }
0x10b: {  	s0 =	sadd.s32 @!p0 $0x100000, s0  }
0x10c: {  	[sflag:s0] =	ssyncadd.tile.s32 @!p0 $0x1;
	_ =	shalt  }
.Lfunc_end2:
_tile_overlayer_lowered:
.L_overlay_start_2:
0x10d: {  	(tag) =	ssettag $0x2  }
0x10e: {  	s0 =	rddreg [dreg:$0x0];
	s2 =	stileid.u32  }
0x10f: {  	s1 =	rddreg [dreg:$0x1];
	p0 =	sne.s32 s2, $0x0  }
0x110: {  	s3 =	rddreg [dreg:$0x2];
	[bflag:$0x3] =	sbarrier.arrive $0xFFFF;
	s2 =	simm.s32 @!p0 $0x1C04  }
0x111: {  	[timem:s3], [sflag:s2] =	dma.local @!p0 [hbm:s0], s1  }
0x112: {  	s0 =	simm.s32 @!p0 $0x4  }
0x113: {  	_ =	swait.ge @!p0 [sflag:s0], s1  }
0x114: {  	s1 =	ssub.s32 @!p0 $0x0, s1;
	[sflag:s0] =	ssyncset.done @!p0 $0x0  }
0x115: {  	[sflag:s0] =	ssyncadd.s32 @!p0 s1  }
0x116: {  	[bflag:$0x3] =	sbarrier.arrive $0xFFFF  }
0x117: {  	_ =	shalt  }

</sc_bundles>
